<compile_context>
chip_gen: v7x
topology: tpu7x:2x2x1
jax: 0.10.2.dev20260603
libtpu: 0.0.44.dev20260713+nightly
codegen_flags: <defaults>
</compile_context>

<pallas_src>
import functools

import jax
import jax.numpy as jnp
from jax import lax
from jax.experimental import pallas as pl
from jax.experimental.pallas import tpu as pltpu
from jax.experimental.pallas import tpu_sc as plsc

_CHUNK = 128


@functools.lru_cache(maxsize=None)
def _build(B, D):
    info = plsc.get_sparse_core_info()
    NC, NS = info.num_cores, info.num_subcores
    NW = NC * NS
    assert B % (NW * _CHUNK) == 0
    b_per_w = B // NW
    n_chunks = b_per_w // _CHUNK
    mesh = plsc.VectorSubcoreMesh(core_axis_name="c", subcore_axis_name="s")

    @functools.partial(
        pl.kernel,
        mesh=mesh,
        out_type=jax.ShapeDtypeStruct((B, D), jnp.float32),
        scratch_types=[
            pltpu.VMEM((n_chunks, _CHUNK), jnp.int32),
            pltpu.VMEM((b_per_w, D), jnp.float32),
            pltpu.SemaphoreType.DMA,
        ],
        compiler_params=pltpu.CompilerParams(use_tc_tiling_on_sc=False),
    )
    def k(idx_hbm, table_hbm, out_hbm, idx_v, rows_v, sem):
        wid = lax.axis_index("s") * NC + lax.axis_index("c")
        pltpu.sync_copy(idx_hbm.at[pl.ds(wid * n_chunks, n_chunks), :], idx_v)
        copies = [
            pltpu.async_copy(
                table_hbm.at[idx_v.at[j]],
                rows_v.at[pl.ds(j * _CHUNK, _CHUNK), :],
                sem,
            )
            for j in range(n_chunks)
        ]
        for c in copies:
            c.wait()
        pltpu.sync_copy(rows_v, out_hbm.at[pl.ds(wid * b_per_w, b_per_w)])

    return k


def kernel(x, weight):
    B, F = x.shape
    D = weight.shape[1]
    n = B * F
    idx = x.astype(jnp.int32).reshape(n // _CHUNK, _CHUNK)
    out = _build(n, D)(idx, weight)
    return out.reshape(B, F, D)

# --- scband reference (transcript-rebuilt; emitter-appended) ---
"""Pipeline reference for scband-embedding-17446157156615 (READ-ONLY COPY).

The authoritative reference and input builder live on the scoring server;
editing this copy changes nothing except your own understanding.
"""

import jax, jax.numpy as jnp
import numpy as np

FEATURE_NUM = 1000000
EMB_DIM = 32
BATCH = 4096
FIELDS = 26


def setup_inputs(seed: int = 0) -> dict:
    key = jax.random.key(seed)
    k_idx, k_w = jax.random.split(key)
    x = jax.random.randint(k_idx, (BATCH, FIELDS), 0, FEATURE_NUM, dtype=jnp.int64 if jax.config.jax_enable_x64 else jnp.int32)
    weight = jax.random.normal(k_w, (FEATURE_NUM, EMB_DIM), dtype=jnp.float32) * 0.0001
    return {"x": x, "weight": weight}


def reference(x, weight):
    # F.embedding(x, weight) -> gather rows of weight by x
    out = jnp.take(weight, x, axis=0)
    return out

if __name__ == "__main__":
    import jax
    _d = setup_inputs()
    print(jax.jit(kernel)(*tuple(_d.values())))

</pallas_src>

<mosaic_0001>
#map = affine_map<(d0, d1) -> (0, 0)>
module attributes {stable_mosaic.version = 14 : i64} {
  func.func @k(%arg0: i32, %arg1: i32, %arg2: memref<832x128xi32, #tpu.memory_space<hbm>>, %arg3: memref<1000000x32xf32, #tpu.memory_space<hbm>>, %arg4: memref<106496x32xf32, #tpu.memory_space<hbm>>, %arg5: memref<26x128xi32, #tpu.memory_space<vmem>>, %arg6: memref<3328x32xf32, #tpu.memory_space<vmem>>, %arg7: memref<!tpu.dma_semaphore, #tpu.memory_space<semaphore_mem>>) attributes {dimension_semantics = [#tpu.dimension_semantics<core_parallel>, #tpu.dimension_semantics<subcore_parallel>], iteration_bounds = array<i64: 2, 16>, scalar_prefetch = 0 : i64, scratch_operands = 3 : i64, tpu.core_type = #tpu.core_type<sc_vector_subcore>, window_params = [{transform_indices = #map}, {transform_indices = #map}, {transform_indices = #map}]} {
    %mul3A = arith.constant 2 : i32
    %mul3A_0 = arith.muli %arg1, %mul3A : i32
    %add3A = arith.addi %mul3A_0, %arg0 : i32
    %mul3A_1 = arith.constant 26 : i32
    %mul3A_2 = arith.muli %add3A, %mul3A_1 : i32
    "tpu.region"() ({
      %run_scoped3A = tpu.sem_alloc : memref<!tpu.dma_semaphore, #tpu.memory_space<semaphore_mem>>
      %dma_start3A_523 = arith.constant 0 : i32
      %dma_start3A_524 = tpu.memref_slice %arg2[%mul3A_2, %dma_start3A_523] : memref<832x128xi32, #tpu.memory_space<hbm>> -> memref<26x128xi32, #tpu.memory_space<hbm>>
      %dma_start3A_525 = arith.constant 0 : i32
      %dma_start3A_526 = tpu.memref_slice %arg2[%mul3A_2, %dma_start3A_525] : memref<832x128xi32, #tpu.memory_space<hbm>> -> memref<26x128xi32, #tpu.memory_space<hbm>>
      tpu.enqueue_dma source(%dma_start3A_526 : memref<26x128xi32, #tpu.memory_space<hbm>>) target(%arg5 : memref<26x128xi32, #tpu.memory_space<vmem>>) target_semaphore(%run_scoped3A : memref<!tpu.dma_semaphore, #tpu.memory_space<semaphore_mem>>)
      %dma_wait3A_527 = arith.constant 0 : i32
      %dma_wait3A_528 = tpu.memref_slice %arg2[%mul3A_2, %dma_wait3A_527] : memref<832x128xi32, #tpu.memory_space<hbm>> -> memref<26x128xi32, #tpu.memory_space<hbm>>
      %dma_wait3A_529 = arith.constant 0 : i32
      %dma_wait3A_530 = tpu.memref_slice %arg2[%mul3A_2, %dma_wait3A_529] : memref<832x128xi32, #tpu.memory_space<hbm>> -> memref<26x128xi32, #tpu.memory_space<hbm>>
      tpu.wait_dma2 semaphore(%run_scoped3A : memref<!tpu.dma_semaphore, #tpu.memory_space<semaphore_mem>>) src(%dma_wait3A_530 : memref<26x128xi32, #tpu.memory_space<hbm>>) dst(%arg5 : memref<26x128xi32, #tpu.memory_space<vmem>>)
      tpu.yield
    }) : () -> ()
    %dma_start3A = arith.constant 0 : i32
    %dma_start3A_3 = arith.constant 0 : i32
    %dma_start3A_4 = arith.constant 0 : i32
    %dma_start3A_5 = tpu.memref_slice %arg6[%dma_start3A_3, %dma_start3A_4] : memref<3328x32xf32, #tpu.memory_space<vmem>> -> memref<128x32xf32, #tpu.memory_space<vmem>>
    %dma_start3A_6 = arith.constant 0 : i32
    %dma_start3A_7 = tpu.memref_slice %arg5[%dma_start3A, %dma_start3A_6] : memref<26x128xi32, #tpu.memory_space<vmem>> -> memref<1x128xi32, #tpu.memory_space<vmem>>
    %dma_start3A_8 = tpu.memref_squeeze %dma_start3A_7 : memref<1x128xi32, #tpu.memory_space<vmem>> -> memref<128xi32, #tpu.memory_space<vmem>>
    %dma_start3A_9 = arith.constant 0 : i32
    %dma_start3A_10 = arith.constant 0 : i32
    %dma_start3A_11 = tpu.memref_slice %arg3[%dma_start3A_9, %dma_start3A_10] : memref<1000000x32xf32, #tpu.memory_space<hbm>> -> memref<1000000x32xf32, #tpu.memory_space<hbm>>
    tpu.enqueue_indirect_dma source(%dma_start3A_11 : memref<1000000x32xf32, #tpu.memory_space<hbm>>) target(%dma_start3A_5 : memref<128x32xf32, #tpu.memory_space<vmem>>) offsets(%dma_start3A_8 : memref<128xi32, #tpu.memory_space<vmem>>) semaphore(%arg7 : memref<!tpu.dma_semaphore, #tpu.memory_space<semaphore_mem>>)
    %dma_start3A_12 = arith.constant 1 : i32
    %dma_start3A_13 = arith.constant 128 : i32
    %dma_start3A_14 = arith.constant 0 : i32
    %dma_start3A_15 = tpu.memref_slice %arg6[%dma_start3A_13, %dma_start3A_14] : memref<3328x32xf32, #tpu.memory_space<vmem>> -> memref<128x32xf32, #tpu.memory_space<vmem>>
    %dma_start3A_16 = arith.constant 0 : i32
    %dma_start3A_17 = tpu.memref_slice %arg5[%dma_start3A_12, %dma_start3A_16] : memref<26x128xi32, #tpu.memory_space<vmem>> -> memref<1x128xi32, #tpu.memory_space<vmem>>
    %dma_start3A_18 = tpu.memref_squeeze %dma_start3A_17 : memref<1x128xi32, #tpu.memory_space<vmem>> -> memref<128xi32, #tpu.memory_space<vmem>>
    %dma_start3A_19 = arith.constant 0 : i32
    %dma_start3A_20 = arith.constant 0 : i32
    %dma_start3A_21 = tpu.memref_slice %arg3[%dma_start3A_19, %dma_start3A_20] : memref<1000000x32xf32, #tpu.memory_space<hbm>> -> memref<1000000x32xf32, #tpu.memory_space<hbm>>
    tpu.enqueue_indirect_dma source(%dma_start3A_21 : memref<1000000x32xf32, #tpu.memory_space<hbm>>) target(%dma_start3A_15 : memref<128x32xf32, #tpu.memory_space<vmem>>) offsets(%dma_start3A_18 : memref<128xi32, #tpu.memory_space<vmem>>) semaphore(%arg7 : memref<!tpu.dma_semaphore, #tpu.memory_space<semaphore_mem>>)
    %dma_start3A_22 = arith.constant 2 : i32
    %dma_start3A_23 = arith.constant 256 : i32
    %dma_start3A_24 = arith.constant 0 : i32
    %dma_start3A_25 = tpu.memref_slice %arg6[%dma_start3A_23, %dma_start3A_24] : memref<3328x32xf32, #tpu.memory_space<vmem>> -> memref<128x32xf32, #tpu.memory_space<vmem>>
    %dma_start3A_26 = arith.constant 0 : i32
    %dma_start3A_27 = tpu.memref_slice %arg5[%dma_start3A_22, %dma_start3A_26] : memref<26x128xi32, #tpu.memory_space<vmem>> -> memref<1x128xi32, #tpu.memory_space<vmem>>
    %dma_start3A_28 = tpu.memref_squeeze %dma_start3A_27 : memref<1x128xi32, #tpu.memory_space<vmem>> -> memref<128xi32, #tpu.memory_space<vmem>>
    %dma_start3A_29 = arith.constant 0 : i32
    %dma_start3A_30 = arith.constant 0 : i32
    %dma_start3A_31 = tpu.memref_slice %arg3[%dma_start3A_29, %dma_start3A_30] : memref<1000000x32xf32, #tpu.memory_space<hbm>> -> memref<1000000x32xf32, #tpu.memory_space<hbm>>
    tpu.enqueue_indirect_dma source(%dma_start3A_31 : memref<1000000x32xf32, #tpu.memory_space<hbm>>) target(%dma_start3A_25 : memref<128x32xf32, #tpu.memory_space<vmem>>) offsets(%dma_start3A_28 : memref<128xi32, #tpu.memory_space<vmem>>) semaphore(%arg7 : memref<!tpu.dma_semaphore, #tpu.memory_space<semaphore_mem>>)
    %dma_start3A_32 = arith.constant 3 : i32
    %dma_start3A_33 = arith.constant 384 : i32
    %dma_start3A_34 = arith.constant 0 : i32
    %dma_start3A_35 = tpu.memref_slice %arg6[%dma_start3A_33, %dma_start3A_34] : memref<3328x32xf32, #tpu.memory_space<vmem>> -> memref<128x32xf32, #tpu.memory_space<vmem>>
    %dma_start3A_36 = arith.constant 0 : i32
    %dma_start3A_37 = tpu.memref_slice %arg5[%dma_start3A_32, %dma_start3A_36] : memref<26x128xi32, #tpu.memory_space<vmem>> -> memref<1x128xi32, #tpu.memory_space<vmem>>
    %dma_start3A_38 = tpu.memref_squeeze %dma_start3A_37 : memref<1x128xi32, #tpu.memory_space<vmem>> -> memref<128xi32, #tpu.memory_space<vmem>>
    %dma_start3A_39 = arith.constant 0 : i32
    %dma_start3A_40 = arith.constant 0 : i32
    %dma_start3A_41 = tpu.memref_slice %arg3[%dma_start3A_39, %dma_start3A_40] : memref<1000000x32xf32, #tpu.memory_space<hbm>> -> memref<1000000x32xf32, #tpu.memory_space<hbm>>
    tpu.enqueue_indirect_dma source(%dma_start3A_41 : memref<1000000x32xf32, #tpu.memory_space<hbm>>) target(%dma_start3A_35 : memref<128x32xf32, #tpu.memory_space<vmem>>) offsets(%dma_start3A_38 : memref<128xi32, #tpu.memory_space<vmem>>) semaphore(%arg7 : memref<!tpu.dma_semaphore, #tpu.memory_space<semaphore_mem>>)
    %dma_start3A_42 = arith.constant 4 : i32
    %dma_start3A_43 = arith.constant 512 : i32
    %dma_start3A_44 = arith.constant 0 : i32
    %dma_start3A_45 = tpu.memref_slice %arg6[%dma_start3A_43, %dma_start3A_44] : memref<3328x32xf32, #tpu.memory_space<vmem>> -> memref<128x32xf32, #tpu.memory_space<vmem>>
    %dma_start3A_46 = arith.constant 0 : i32
    %dma_start3A_47 = tpu.memref_slice %arg5[%dma_start3A_42, %dma_start3A_46] : memref<26x128xi32, #tpu.memory_space<vmem>> -> memref<1x128xi32, #tpu.memory_space<vmem>>
    %dma_start3A_48 = tpu.memref_squeeze %dma_start3A_47 : memref<1x128xi32, #tpu.memory_space<vmem>> -> memref<128xi32, #tpu.memory_space<vmem>>
    %dma_start3A_49 = arith.constant 0 : i32
    %dma_start3A_50 = arith.constant 0 : i32
    %dma_start3A_51 = tpu.memref_slice %arg3[%dma_start3A_49, %dma_start3A_50] : memref<1000000x32xf32, #tpu.memory_space<hbm>> -> memref<1000000x32xf32, #tpu.memory_space<hbm>>
    tpu.enqueue_indirect_dma source(%dma_start3A_51 : memref<1000000x32xf32, #tpu.memory_space<hbm>>) target(%dma_start3A_45 : memref<128x32xf32, #tpu.memory_space<vmem>>) offsets(%dma_start3A_48 : memref<128xi32, #tpu.memory_space<vmem>>) semaphore(%arg7 : memref<!tpu.dma_semaphore, #tpu.memory_space<semaphore_mem>>)
    %dma_start3A_52 = arith.constant 5 : i32
    %dma_start3A_53 = arith.constant 640 : i32
    %dma_start3A_54 = arith.constant 0 : i32
    %dma_start3A_55 = tpu.memref_slice %arg6[%dma_start3A_53, %dma_start3A_54] : memref<3328x32xf32, #tpu.memory_space<vmem>> -> memref<128x32xf32, #tpu.memory_space<vmem>>
    %dma_start3A_56 = arith.constant 0 : i32
    %dma_start3A_57 = tpu.memref_slice %arg5[%dma_start3A_52, %dma_start3A_56] : memref<26x128xi32, #tpu.memory_space<vmem>> -> memref<1x128xi32, #tpu.memory_space<vmem>>
    %dma_start3A_58 = tpu.memref_squeeze %dma_start3A_57 : memref<1x128xi32, #tpu.memory_space<vmem>> -> memref<128xi32, #tpu.memory_space<vmem>>
    %dma_start3A_59 = arith.constant 0 : i32
    %dma_start3A_60 = arith.constant 0 : i32
    %dma_start3A_61 = tpu.memref_slice %arg3[%dma_start3A_59, %dma_start3A_60] : memref<1000000x32xf32, #tpu.memory_space<hbm>> -> memref<1000000x32xf32, #tpu.memory_space<hbm>>
    tpu.enqueue_indirect_dma source(%dma_start3A_61 : memref<1000000x32xf32, #tpu.memory_space<hbm>>) target(%dma_start3A_55 : memref<128x32xf32, #tpu.memory_space<vmem>>) offsets(%dma_start3A_58 : memref<128xi32, #tpu.memory_space<vmem>>) semaphore(%arg7 : memref<!tpu.dma_semaphore, #tpu.memory_space<semaphore_mem>>)
    %dma_start3A_62 = arith.constant 6 : i32
    %dma_start3A_63 = arith.constant 768 : i32
    %dma_start3A_64 = arith.constant 0 : i32
    %dma_start3A_65 = tpu.memref_slice %arg6[%dma_start3A_63, %dma_start3A_64] : memref<3328x32xf32, #tpu.memory_space<vmem>> -> memref<128x32xf32, #tpu.memory_space<vmem>>
    %dma_start3A_66 = arith.constant 0 : i32
    %dma_start3A_67 = tpu.memref_slice %arg5[%dma_start3A_62, %dma_start3A_66] : memref<26x128xi32, #tpu.memory_space<vmem>> -> memref<1x128xi32, #tpu.memory_space<vmem>>
    %dma_start3A_68 = tpu.memref_squeeze %dma_start3A_67 : memref<1x128xi32, #tpu.memory_space<vmem>> -> memref<128xi32, #tpu.memory_space<vmem>>
    %dma_start3A_69 = arith.constant 0 : i32
    %dma_start3A_70 = arith.constant 0 : i32
    %dma_start3A_71 = tpu.memref_slice %arg3[%dma_start3A_69, %dma_start3A_70] : memref<1000000x32xf32, #tpu.memory_space<hbm>> -> memref<1000000x32xf32, #tpu.memory_space<hbm>>
    tpu.enqueue_indirect_dma source(%dma_start3A_71 : memref<1000000x32xf32, #tpu.memory_space<hbm>>) target(%dma_start3A_65 : memref<128x32xf32, #tpu.memory_space<vmem>>) offsets(%dma_start3A_68 : memref<128xi32, #tpu.memory_space<vmem>>) semaphore(%arg7 : memref<!tpu.dma_semaphore, #tpu.memory_space<semaphore_mem>>)
    %dma_start3A_72 = arith.constant 7 : i32
    %dma_start3A_73 = arith.constant 896 : i32
    %dma_start3A_74 = arith.constant 0 : i32
    %dma_start3A_75 = tpu.memref_slice %arg6[%dma_start3A_73, %dma_start3A_74] : memref<3328x32xf32, #tpu.memory_space<vmem>> -> memref<128x32xf32, #tpu.memory_space<vmem>>
    %dma_start3A_76 = arith.constant 0 : i32
    %dma_start3A_77 = tpu.memref_slice %arg5[%dma_start3A_72, %dma_start3A_76] : memref<26x128xi32, #tpu.memory_space<vmem>> -> memref<1x128xi32, #tpu.memory_space<vmem>>
    %dma_start3A_78 = tpu.memref_squeeze %dma_start3A_77 : memref<1x128xi32, #tpu.memory_space<vmem>> -> memref<128xi32, #tpu.memory_space<vmem>>
    %dma_start3A_79 = arith.constant 0 : i32
    %dma_start3A_80 = arith.constant 0 : i32
    %dma_start3A_81 = tpu.memref_slice %arg3[%dma_start3A_79, %dma_start3A_80] : memref<1000000x32xf32, #tpu.memory_space<hbm>> -> memref<1000000x32xf32, #tpu.memory_space<hbm>>
    tpu.enqueue_indirect_dma source(%dma_start3A_81 : memref<1000000x32xf32, #tpu.memory_space<hbm>>) target(%dma_start3A_75 : memref<128x32xf32, #tpu.memory_space<vmem>>) offsets(%dma_start3A_78 : memref<128xi32, #tpu.memory_space<vmem>>) semaphore(%arg7 : memref<!tpu.dma_semaphore, #tpu.memory_space<semaphore_mem>>)
    %dma_start3A_82 = arith.constant 8 : i32
    %dma_start3A_83 = arith.constant 1024 : i32
    %dma_start3A_84 = arith.constant 0 : i32
    %dma_start3A_85 = tpu.memref_slice %arg6[%dma_start3A_83, %dma_start3A_84] : memref<3328x32xf32, #tpu.memory_space<vmem>> -> memref<128x32xf32, #tpu.memory_space<vmem>>
    %dma_start3A_86 = arith.constant 0 : i32
    %dma_start3A_87 = tpu.memref_slice %arg5[%dma_start3A_82, %dma_start3A_86] : memref<26x128xi32, #tpu.memory_space<vmem>> -> memref<1x128xi32, #tpu.memory_space<vmem>>
    %dma_start3A_88 = tpu.memref_squeeze %dma_start3A_87 : memref<1x128xi32, #tpu.memory_space<vmem>> -> memref<128xi32, #tpu.memory_space<vmem>>
    %dma_start3A_89 = arith.constant 0 : i32
    %dma_start3A_90 = arith.constant 0 : i32
    %dma_start3A_91 = tpu.memref_slice %arg3[%dma_start3A_89, %dma_start3A_90] : memref<1000000x32xf32, #tpu.memory_space<hbm>> -> memref<1000000x32xf32, #tpu.memory_space<hbm>>
    tpu.enqueue_indirect_dma source(%dma_start3A_91 : memref<1000000x32xf32, #tpu.memory_space<hbm>>) target(%dma_start3A_85 : memref<128x32xf32, #tpu.memory_space<vmem>>) offsets(%dma_start3A_88 : memref<128xi32, #tpu.memory_space<vmem>>) semaphore(%arg7 : memref<!tpu.dma_semaphore, #tpu.memory_space<semaphore_mem>>)
    %dma_start3A_92 = arith.constant 9 : i32
    %dma_start3A_93 = arith.constant 1152 : i32
    %dma_start3A_94 = arith.constant 0 : i32
    %dma_start3A_95 = tpu.memref_slice %arg6[%dma_start3A_93, %dma_start3A_94] : memref<3328x32xf32, #tpu.memory_space<vmem>> -> memref<128x32xf32, #tpu.memory_space<vmem>>
    %dma_start3A_96 = arith.constant 0 : i32
    %dma_start3A_97 = tpu.memref_slice %arg5[%dma_start3A_92, %dma_start3A_96] : memref<26x128xi32, #tpu.memory_space<vmem>> -> memref<1x128xi32, #tpu.memory_space<vmem>>
    %dma_start3A_98 = tpu.memref_squeeze %dma_start3A_97 : memref<1x128xi32, #tpu.memory_space<vmem>> -> memref<128xi32, #tpu.memory_space<vmem>>
    %dma_start3A_99 = arith.constant 0 : i32
    %dma_start3A_100 = arith.constant 0 : i32
    %dma_start3A_101 = tpu.memref_slice %arg3[%dma_start3A_99, %dma_start3A_100] : memref<1000000x32xf32, #tpu.memory_space<hbm>> -> memref<1000000x32xf32, #tpu.memory_space<hbm>>
    tpu.enqueue_indirect_dma source(%dma_start3A_101 : memref<1000000x32xf32, #tpu.memory_space<hbm>>) target(%dma_start3A_95 : memref<128x32xf32, #tpu.memory_space<vmem>>) offsets(%dma_start3A_98 : memref<128xi32, #tpu.memory_space<vmem>>) semaphore(%arg7 : memref<!tpu.dma_semaphore, #tpu.memory_space<semaphore_mem>>)
    %dma_start3A_102 = arith.constant 10 : i32
    %dma_start3A_103 = arith.constant 1280 : i32
    %dma_start3A_104 = arith.constant 0 : i32
    %dma_start3A_105 = tpu.memref_slice %arg6[%dma_start3A_103, %dma_start3A_104] : memref<3328x32xf32, #tpu.memory_space<vmem>> -> memref<128x32xf32, #tpu.memory_space<vmem>>
    %dma_start3A_106 = arith.constant 0 : i32
    %dma_start3A_107 = tpu.memref_slice %arg5[%dma_start3A_102, %dma_start3A_106] : memref<26x128xi32, #tpu.memory_space<vmem>> -> memref<1x128xi32, #tpu.memory_space<vmem>>
    %dma_start3A_108 = tpu.memref_squeeze %dma_start3A_107 : memref<1x128xi32, #tpu.memory_space<vmem>> -> memref<128xi32, #tpu.memory_space<vmem>>
    %dma_start3A_109 = arith.constant 0 : i32
    %dma_start3A_110 = arith.constant 0 : i32
    %dma_start3A_111 = tpu.memref_slice %arg3[%dma_start3A_109, %dma_start3A_110] : memref<1000000x32xf32, #tpu.memory_space<hbm>> -> memref<1000000x32xf32, #tpu.memory_space<hbm>>
    tpu.enqueue_indirect_dma source(%dma_start3A_111 : memref<1000000x32xf32, #tpu.memory_space<hbm>>) target(%dma_start3A_105 : memref<128x32xf32, #tpu.memory_space<vmem>>) offsets(%dma_start3A_108 : memref<128xi32, #tpu.memory_space<vmem>>) semaphore(%arg7 : memref<!tpu.dma_semaphore, #tpu.memory_space<semaphore_mem>>)
    %dma_start3A_112 = arith.constant 11 : i32
    %dma_start3A_113 = arith.constant 1408 : i32
    %dma_start3A_114 = arith.constant 0 : i32
    %dma_start3A_115 = tpu.memref_slice %arg6[%dma_start3A_113, %dma_start3A_114] : memref<3328x32xf32, #tpu.memory_space<vmem>> -> memref<128x32xf32, #tpu.memory_space<vmem>>
    %dma_start3A_116 = arith.constant 0 : i32
    %dma_start3A_117 = tpu.memref_slice %arg5[%dma_start3A_112, %dma_start3A_116] : memref<26x128xi32, #tpu.memory_space<vmem>> -> memref<1x128xi32, #tpu.memory_space<vmem>>
    %dma_start3A_118 = tpu.memref_squeeze %dma_start3A_117 : memref<1x128xi32, #tpu.memory_space<vmem>> -> memref<128xi32, #tpu.memory_space<vmem>>
    %dma_start3A_119 = arith.constant 0 : i32
    %dma_start3A_120 = arith.constant 0 : i32
    %dma_start3A_121 = tpu.memref_slice %arg3[%dma_start3A_119, %dma_start3A_120] : memref<1000000x32xf32, #tpu.memory_space<hbm>> -> memref<1000000x32xf32, #tpu.memory_space<hbm>>
    tpu.enqueue_indirect_dma source(%dma_start3A_121 : memref<1000000x32xf32, #tpu.memory_space<hbm>>) target(%dma_start3A_115 : memref<128x32xf32, #tpu.memory_space<vmem>>) offsets(%dma_start3A_118 : memref<128xi32, #tpu.memory_space<vmem>>) semaphore(%arg7 : memref<!tpu.dma_semaphore, #tpu.memory_space<semaphore_mem>>)
    %dma_start3A_122 = arith.constant 12 : i32
    %dma_start3A_123 = arith.constant 1536 : i32
    %dma_start3A_124 = arith.constant 0 : i32
    %dma_start3A_125 = tpu.memref_slice %arg6[%dma_start3A_123, %dma_start3A_124] : memref<3328x32xf32, #tpu.memory_space<vmem>> -> memref<128x32xf32, #tpu.memory_space<vmem>>
    %dma_start3A_126 = arith.constant 0 : i32
    %dma_start3A_127 = tpu.memref_slice %arg5[%dma_start3A_122, %dma_start3A_126] : memref<26x128xi32, #tpu.memory_space<vmem>> -> memref<1x128xi32, #tpu.memory_space<vmem>>
    %dma_start3A_128 = tpu.memref_squeeze %dma_start3A_127 : memref<1x128xi32, #tpu.memory_space<vmem>> -> memref<128xi32, #tpu.memory_space<vmem>>
    %dma_start3A_129 = arith.constant 0 : i32
    %dma_start3A_130 = arith.constant 0 : i32
    %dma_start3A_131 = tpu.memref_slice %arg3[%dma_start3A_129, %dma_start3A_130] : memref<1000000x32xf32, #tpu.memory_space<hbm>> -> memref<1000000x32xf32, #tpu.memory_space<hbm>>
    tpu.enqueue_indirect_dma source(%dma_start3A_131 : memref<1000000x32xf32, #tpu.memory_space<hbm>>) target(%dma_start3A_125 : memref<128x32xf32, #tpu.memory_space<vmem>>) offsets(%dma_start3A_128 : memref<128xi32, #tpu.memory_space<vmem>>) semaphore(%arg7 : memref<!tpu.dma_semaphore, #tpu.memory_space<semaphore_mem>>)
    %dma_start3A_132 = arith.constant 13 : i32
    %dma_start3A_133 = arith.constant 1664 : i32
    %dma_start3A_134 = arith.constant 0 : i32
    %dma_start3A_135 = tpu.memref_slice %arg6[%dma_start3A_133, %dma_start3A_134] : memref<3328x32xf32, #tpu.memory_space<vmem>> -> memref<128x32xf32, #tpu.memory_space<vmem>>
    %dma_start3A_136 = arith.constant 0 : i32
    %dma_start3A_137 = tpu.memref_slice %arg5[%dma_start3A_132, %dma_start3A_136] : memref<26x128xi32, #tpu.memory_space<vmem>> -> memref<1x128xi32, #tpu.memory_space<vmem>>
    %dma_start3A_138 = tpu.memref_squeeze %dma_start3A_137 : memref<1x128xi32, #tpu.memory_space<vmem>> -> memref<128xi32, #tpu.memory_space<vmem>>
    %dma_start3A_139 = arith.constant 0 : i32
    %dma_start3A_140 = arith.constant 0 : i32
    %dma_start3A_141 = tpu.memref_slice %arg3[%dma_start3A_139, %dma_start3A_140] : memref<1000000x32xf32, #tpu.memory_space<hbm>> -> memref<1000000x32xf32, #tpu.memory_space<hbm>>
    tpu.enqueue_indirect_dma source(%dma_start3A_141 : memref<1000000x32xf32, #tpu.memory_space<hbm>>) target(%dma_start3A_135 : memref<128x32xf32, #tpu.memory_space<vmem>>) offsets(%dma_start3A_138 : memref<128xi32, #tpu.memory_space<vmem>>) semaphore(%arg7 : memref<!tpu.dma_semaphore, #tpu.memory_space<semaphore_mem>>)
    %dma_start3A_142 = arith.constant 14 : i32
    %dma_start3A_143 = arith.constant 1792 : i32
    %dma_start3A_144 = arith.constant 0 : i32
    %dma_start3A_145 = tpu.memref_slice %arg6[%dma_start3A_143, %dma_start3A_144] : memref<3328x32xf32, #tpu.memory_space<vmem>> -> memref<128x32xf32, #tpu.memory_space<vmem>>
    %dma_start3A_146 = arith.constant 0 : i32
    %dma_start3A_147 = tpu.memref_slice %arg5[%dma_start3A_142, %dma_start3A_146] : memref<26x128xi32, #tpu.memory_space<vmem>> -> memref<1x128xi32, #tpu.memory_space<vmem>>
    %dma_start3A_148 = tpu.memref_squeeze %dma_start3A_147 : memref<1x128xi32, #tpu.memory_space<vmem>> -> memref<128xi32, #tpu.memory_space<vmem>>
    %dma_start3A_149 = arith.constant 0 : i32
    %dma_start3A_150 = arith.constant 0 : i32
    %dma_start3A_151 = tpu.memref_slice %arg3[%dma_start3A_149, %dma_start3A_150] : memref<1000000x32xf32, #tpu.memory_space<hbm>> -> memref<1000000x32xf32, #tpu.memory_space<hbm>>
    tpu.enqueue_indirect_dma source(%dma_start3A_151 : memref<1000000x32xf32, #tpu.memory_space<hbm>>) target(%dma_start3A_145 : memref<128x32xf32, #tpu.memory_space<vmem>>) offsets(%dma_start3A_148 : memref<128xi32, #tpu.memory_space<vmem>>) semaphore(%arg7 : memref<!tpu.dma_semaphore, #tpu.memory_space<semaphore_mem>>)
    %dma_start3A_152 = arith.constant 15 : i32
    %dma_start3A_153 = arith.constant 1920 : i32
    %dma_start3A_154 = arith.constant 0 : i32
    %dma_start3A_155 = tpu.memref_slice %arg6[%dma_start3A_153, %dma_start3A_154] : memref<3328x32xf32, #tpu.memory_space<vmem>> -> memref<128x32xf32, #tpu.memory_space<vmem>>
    %dma_start3A_156 = arith.constant 0 : i32
    %dma_start3A_157 = tpu.memref_slice %arg5[%dma_start3A_152, %dma_start3A_156] : memref<26x128xi32, #tpu.memory_space<vmem>> -> memref<1x128xi32, #tpu.memory_space<vmem>>
    %dma_start3A_158 = tpu.memref_squeeze %dma_start3A_157 : memref<1x128xi32, #tpu.memory_space<vmem>> -> memref<128xi32, #tpu.memory_space<vmem>>
    %dma_start3A_159 = arith.constant 0 : i32
    %dma_start3A_160 = arith.constant 0 : i32
    %dma_start3A_161 = tpu.memref_slice %arg3[%dma_start3A_159, %dma_start3A_160] : memref<1000000x32xf32, #tpu.memory_space<hbm>> -> memref<1000000x32xf32, #tpu.memory_space<hbm>>
    tpu.enqueue_indirect_dma source(%dma_start3A_161 : memref<1000000x32xf32, #tpu.memory_space<hbm>>) target(%dma_start3A_155 : memref<128x32xf32, #tpu.memory_space<vmem>>) offsets(%dma_start3A_158 : memref<128xi32, #tpu.memory_space<vmem>>) semaphore(%arg7 : memref<!tpu.dma_semaphore, #tpu.memory_space<semaphore_mem>>)
    %dma_start3A_162 = arith.constant 16 : i32
    %dma_start3A_163 = arith.constant 2048 : i32
    %dma_start3A_164 = arith.constant 0 : i32
    %dma_start3A_165 = tpu.memref_slice %arg6[%dma_start3A_163, %dma_start3A_164] : memref<3328x32xf32, #tpu.memory_space<vmem>> -> memref<128x32xf32, #tpu.memory_space<vmem>>
    %dma_start3A_166 = arith.constant 0 : i32
    %dma_start3A_167 = tpu.memref_slice %arg5[%dma_start3A_162, %dma_start3A_166] : memref<26x128xi32, #tpu.memory_space<vmem>> -> memref<1x128xi32, #tpu.memory_space<vmem>>
    %dma_start3A_168 = tpu.memref_squeeze %dma_start3A_167 : memref<1x128xi32, #tpu.memory_space<vmem>> -> memref<128xi32, #tpu.memory_space<vmem>>
    %dma_start3A_169 = arith.constant 0 : i32
    %dma_start3A_170 = arith.constant 0 : i32
    %dma_start3A_171 = tpu.memref_slice %arg3[%dma_start3A_169, %dma_start3A_170] : memref<1000000x32xf32, #tpu.memory_space<hbm>> -> memref<1000000x32xf32, #tpu.memory_space<hbm>>
    tpu.enqueue_indirect_dma source(%dma_start3A_171 : memref<1000000x32xf32, #tpu.memory_space<hbm>>) target(%dma_start3A_165 : memref<128x32xf32, #tpu.memory_space<vmem>>) offsets(%dma_start3A_168 : memref<128xi32, #tpu.memory_space<vmem>>) semaphore(%arg7 : memref<!tpu.dma_semaphore, #tpu.memory_space<semaphore_mem>>)
    %dma_start3A_172 = arith.constant 17 : i32
    %dma_start3A_173 = arith.constant 2176 : i32
    %dma_start3A_174 = arith.constant 0 : i32
    %dma_start3A_175 = tpu.memref_slice %arg6[%dma_start3A_173, %dma_start3A_174] : memref<3328x32xf32, #tpu.memory_space<vmem>> -> memref<128x32xf32, #tpu.memory_space<vmem>>
    %dma_start3A_176 = arith.constant 0 : i32
    %dma_start3A_177 = tpu.memref_slice %arg5[%dma_start3A_172, %dma_start3A_176] : memref<26x128xi32, #tpu.memory_space<vmem>> -> memref<1x128xi32, #tpu.memory_space<vmem>>
    %dma_start3A_178 = tpu.memref_squeeze %dma_start3A_177 : memref<1x128xi32, #tpu.memory_space<vmem>> -> memref<128xi32, #tpu.memory_space<vmem>>
    %dma_start3A_179 = arith.constant 0 : i32
    %dma_start3A_180 = arith.constant 0 : i32
    %dma_start3A_181 = tpu.memref_slice %arg3[%dma_start3A_179, %dma_start3A_180] : memref<1000000x32xf32, #tpu.memory_space<hbm>> -> memref<1000000x32xf32, #tpu.memory_space<hbm>>
    tpu.enqueue_indirect_dma source(%dma_start3A_181 : memref<1000000x32xf32, #tpu.memory_space<hbm>>) target(%dma_start3A_175 : memref<128x32xf32, #tpu.memory_space<vmem>>) offsets(%dma_start3A_178 : memref<128xi32, #tpu.memory_space<vmem>>) semaphore(%arg7 : memref<!tpu.dma_semaphore, #tpu.memory_space<semaphore_mem>>)
    %dma_start3A_182 = arith.constant 18 : i32
    %dma_start3A_183 = arith.constant 2304 : i32
    %dma_start3A_184 = arith.constant 0 : i32
    %dma_start3A_185 = tpu.memref_slice %arg6[%dma_start3A_183, %dma_start3A_184] : memref<3328x32xf32, #tpu.memory_space<vmem>> -> memref<128x32xf32, #tpu.memory_space<vmem>>
    %dma_start3A_186 = arith.constant 0 : i32
    %dma_start3A_187 = tpu.memref_slice %arg5[%dma_start3A_182, %dma_start3A_186] : memref<26x128xi32, #tpu.memory_space<vmem>> -> memref<1x128xi32, #tpu.memory_space<vmem>>
    %dma_start3A_188 = tpu.memref_squeeze %dma_start3A_187 : memref<1x128xi32, #tpu.memory_space<vmem>> -> memref<128xi32, #tpu.memory_space<vmem>>
    %dma_start3A_189 = arith.constant 0 : i32
    %dma_start3A_190 = arith.constant 0 : i32
    %dma_start3A_191 = tpu.memref_slice %arg3[%dma_start3A_189, %dma_start3A_190] : memref<1000000x32xf32, #tpu.memory_space<hbm>> -> memref<1000000x32xf32, #tpu.memory_space<hbm>>
    tpu.enqueue_indirect_dma source(%dma_start3A_191 : memref<1000000x32xf32, #tpu.memory_space<hbm>>) target(%dma_start3A_185 : memref<128x32xf32, #tpu.memory_space<vmem>>) offsets(%dma_start3A_188 : memref<128xi32, #tpu.memory_space<vmem>>) semaphore(%arg7 : memref<!tpu.dma_semaphore, #tpu.memory_space<semaphore_mem>>)
    %dma_start3A_192 = arith.constant 19 : i32
    %dma_start3A_193 = arith.constant 2432 : i32
    %dma_start3A_194 = arith.constant 0 : i32
    %dma_start3A_195 = tpu.memref_slice %arg6[%dma_start3A_193, %dma_start3A_194] : memref<3328x32xf32, #tpu.memory_space<vmem>> -> memref<128x32xf32, #tpu.memory_space<vmem>>
    %dma_start3A_196 = arith.constant 0 : i32
    %dma_start3A_197 = tpu.memref_slice %arg5[%dma_start3A_192, %dma_start3A_196] : memref<26x128xi32, #tpu.memory_space<vmem>> -> memref<1x128xi32, #tpu.memory_space<vmem>>
    %dma_start3A_198 = tpu.memref_squeeze %dma_start3A_197 : memref<1x128xi32, #tpu.memory_space<vmem>> -> memref<128xi32, #tpu.memory_space<vmem>>
    %dma_start3A_199 = arith.constant 0 : i32
    %dma_start3A_200 = arith.constant 0 : i32
    %dma_start3A_201 = tpu.memref_slice %arg3[%dma_start3A_199, %dma_start3A_200] : memref<1000000x32xf32, #tpu.memory_space<hbm>> -> memref<1000000x32xf32, #tpu.memory_space<hbm>>
    tpu.enqueue_indirect_dma source(%dma_start3A_201 : memref<1000000x32xf32, #tpu.memory_space<hbm>>) target(%dma_start3A_195 : memref<128x32xf32, #tpu.memory_space<vmem>>) offsets(%dma_start3A_198 : memref<128xi32, #tpu.memory_space<vmem>>) semaphore(%arg7 : memref<!tpu.dma_semaphore, #tpu.memory_space<semaphore_mem>>)
    %dma_start3A_202 = arith.constant 20 : i32
    %dma_start3A_203 = arith.constant 2560 : i32
    %dma_start3A_204 = arith.constant 0 : i32
    %dma_start3A_205 = tpu.memref_slice %arg6[%dma_start3A_203, %dma_start3A_204] : memref<3328x32xf32, #tpu.memory_space<vmem>> -> memref<128x32xf32, #tpu.memory_space<vmem>>
    %dma_start3A_206 = arith.constant 0 : i32
    %dma_start3A_207 = tpu.memref_slice %arg5[%dma_start3A_202, %dma_start3A_206] : memref<26x128xi32, #tpu.memory_space<vmem>> -> memref<1x128xi32, #tpu.memory_space<vmem>>
    %dma_start3A_208 = tpu.memref_squeeze %dma_start3A_207 : memref<1x128xi32, #tpu.memory_space<vmem>> -> memref<128xi32, #tpu.memory_space<vmem>>
    %dma_start3A_209 = arith.constant 0 : i32
    %dma_start3A_210 = arith.constant 0 : i32
    %dma_start3A_211 = tpu.memref_slice %arg3[%dma_start3A_209, %dma_start3A_210] : memref<1000000x32xf32, #tpu.memory_space<hbm>> -> memref<1000000x32xf32, #tpu.memory_space<hbm>>
    tpu.enqueue_indirect_dma source(%dma_start3A_211 : memref<1000000x32xf32, #tpu.memory_space<hbm>>) target(%dma_start3A_205 : memref<128x32xf32, #tpu.memory_space<vmem>>) offsets(%dma_start3A_208 : memref<128xi32, #tpu.memory_space<vmem>>) semaphore(%arg7 : memref<!tpu.dma_semaphore, #tpu.memory_space<semaphore_mem>>)
    %dma_start3A_212 = arith.constant 21 : i32
    %dma_start3A_213 = arith.constant 2688 : i32
    %dma_start3A_214 = arith.constant 0 : i32
    %dma_start3A_215 = tpu.memref_slice %arg6[%dma_start3A_213, %dma_start3A_214] : memref<3328x32xf32, #tpu.memory_space<vmem>> -> memref<128x32xf32, #tpu.memory_space<vmem>>
    %dma_start3A_216 = arith.constant 0 : i32
    %dma_start3A_217 = tpu.memref_slice %arg5[%dma_start3A_212, %dma_start3A_216] : memref<26x128xi32, #tpu.memory_space<vmem>> -> memref<1x128xi32, #tpu.memory_space<vmem>>
    %dma_start3A_218 = tpu.memref_squeeze %dma_start3A_217 : memref<1x128xi32, #tpu.memory_space<vmem>> -> memref<128xi32, #tpu.memory_space<vmem>>
    %dma_start3A_219 = arith.constant 0 : i32
    %dma_start3A_220 = arith.constant 0 : i32
    %dma_start3A_221 = tpu.memref_slice %arg3[%dma_start3A_219, %dma_start3A_220] : memref<1000000x32xf32, #tpu.memory_space<hbm>> -> memref<1000000x32xf32, #tpu.memory_space<hbm>>
    tpu.enqueue_indirect_dma source(%dma_start3A_221 : memref<1000000x32xf32, #tpu.memory_space<hbm>>) target(%dma_start3A_215 : memref<128x32xf32, #tpu.memory_space<vmem>>) offsets(%dma_start3A_218 : memref<128xi32, #tpu.memory_space<vmem>>) semaphore(%arg7 : memref<!tpu.dma_semaphore, #tpu.memory_space<semaphore_mem>>)
    %dma_start3A_222 = arith.constant 22 : i32
    %dma_start3A_223 = arith.constant 2816 : i32
    %dma_start3A_224 = arith.constant 0 : i32
    %dma_start3A_225 = tpu.memref_slice %arg6[%dma_start3A_223, %dma_start3A_224] : memref<3328x32xf32, #tpu.memory_space<vmem>> -> memref<128x32xf32, #tpu.memory_space<vmem>>
    %dma_start3A_226 = arith.constant 0 : i32
    %dma_start3A_227 = tpu.memref_slice %arg5[%dma_start3A_222, %dma_start3A_226] : memref<26x128xi32, #tpu.memory_space<vmem>> -> memref<1x128xi32, #tpu.memory_space<vmem>>
    %dma_start3A_228 = tpu.memref_squeeze %dma_start3A_227 : memref<1x128xi32, #tpu.memory_space<vmem>> -> memref<128xi32, #tpu.memory_space<vmem>>
    %dma_start3A_229 = arith.constant 0 : i32
    %dma_start3A_230 = arith.constant 0 : i32
    %dma_start3A_231 = tpu.memref_slice %arg3[%dma_start3A_229, %dma_start3A_230] : memref<1000000x32xf32, #tpu.memory_space<hbm>> -> memref<1000000x32xf32, #tpu.memory_space<hbm>>
    tpu.enqueue_indirect_dma source(%dma_start3A_231 : memref<1000000x32xf32, #tpu.memory_space<hbm>>) target(%dma_start3A_225 : memref<128x32xf32, #tpu.memory_space<vmem>>) offsets(%dma_start3A_228 : memref<128xi32, #tpu.memory_space<vmem>>) semaphore(%arg7 : memref<!tpu.dma_semaphore, #tpu.memory_space<semaphore_mem>>)
    %dma_start3A_232 = arith.constant 23 : i32
    %dma_start3A_233 = arith.constant 2944 : i32
    %dma_start3A_234 = arith.constant 0 : i32
    %dma_start3A_235 = tpu.memref_slice %arg6[%dma_start3A_233, %dma_start3A_234] : memref<3328x32xf32, #tpu.memory_space<vmem>> -> memref<128x32xf32, #tpu.memory_space<vmem>>
    %dma_start3A_236 = arith.constant 0 : i32
    %dma_start3A_237 = tpu.memref_slice %arg5[%dma_start3A_232, %dma_start3A_236] : memref<26x128xi32, #tpu.memory_space<vmem>> -> memref<1x128xi32, #tpu.memory_space<vmem>>
    %dma_start3A_238 = tpu.memref_squeeze %dma_start3A_237 : memref<1x128xi32, #tpu.memory_space<vmem>> -> memref<128xi32, #tpu.memory_space<vmem>>
    %dma_start3A_239 = arith.constant 0 : i32
    %dma_start3A_240 = arith.constant 0 : i32
    %dma_start3A_241 = tpu.memref_slice %arg3[%dma_start3A_239, %dma_start3A_240] : memref<1000000x32xf32, #tpu.memory_space<hbm>> -> memref<1000000x32xf32, #tpu.memory_space<hbm>>
    tpu.enqueue_indirect_dma source(%dma_start3A_241 : memref<1000000x32xf32, #tpu.memory_space<hbm>>) target(%dma_start3A_235 : memref<128x32xf32, #tpu.memory_space<vmem>>) offsets(%dma_start3A_238 : memref<128xi32, #tpu.memory_space<vmem>>) semaphore(%arg7 : memref<!tpu.dma_semaphore, #tpu.memory_space<semaphore_mem>>)
    %dma_start3A_242 = arith.constant 24 : i32
    %dma_start3A_243 = arith.constant 3072 : i32
    %dma_start3A_244 = arith.constant 0 : i32
    %dma_start3A_245 = tpu.memref_slice %arg6[%dma_start3A_243, %dma_start3A_244] : memref<3328x32xf32, #tpu.memory_space<vmem>> -> memref<128x32xf32, #tpu.memory_space<vmem>>
    %dma_start3A_246 = arith.constant 0 : i32
    %dma_start3A_247 = tpu.memref_slice %arg5[%dma_start3A_242, %dma_start3A_246] : memref<26x128xi32, #tpu.memory_space<vmem>> -> memref<1x128xi32, #tpu.memory_space<vmem>>
    %dma_start3A_248 = tpu.memref_squeeze %dma_start3A_247 : memref<1x128xi32, #tpu.memory_space<vmem>> -> memref<128xi32, #tpu.memory_space<vmem>>
    %dma_start3A_249 = arith.constant 0 : i32
    %dma_start3A_250 = arith.constant 0 : i32
    %dma_start3A_251 = tpu.memref_slice %arg3[%dma_start3A_249, %dma_start3A_250] : memref<1000000x32xf32, #tpu.memory_space<hbm>> -> memref<1000000x32xf32, #tpu.memory_space<hbm>>
    tpu.enqueue_indirect_dma source(%dma_start3A_251 : memref<1000000x32xf32, #tpu.memory_space<hbm>>) target(%dma_start3A_245 : memref<128x32xf32, #tpu.memory_space<vmem>>) offsets(%dma_start3A_248 : memref<128xi32, #tpu.memory_space<vmem>>) semaphore(%arg7 : memref<!tpu.dma_semaphore, #tpu.memory_space<semaphore_mem>>)
    %dma_start3A_252 = arith.constant 25 : i32
    %dma_start3A_253 = arith.constant 3200 : i32
    %dma_start3A_254 = arith.constant 0 : i32
    %dma_start3A_255 = tpu.memref_slice %arg6[%dma_start3A_253, %dma_start3A_254] : memref<3328x32xf32, #tpu.memory_space<vmem>> -> memref<128x32xf32, #tpu.memory_space<vmem>>
    %dma_start3A_256 = arith.constant 0 : i32
    %dma_start3A_257 = tpu.memref_slice %arg5[%dma_start3A_252, %dma_start3A_256] : memref<26x128xi32, #tpu.memory_space<vmem>> -> memref<1x128xi32, #tpu.memory_space<vmem>>
    %dma_start3A_258 = tpu.memref_squeeze %dma_start3A_257 : memref<1x128xi32, #tpu.memory_space<vmem>> -> memref<128xi32, #tpu.memory_space<vmem>>
    %dma_start3A_259 = arith.constant 0 : i32
    %dma_start3A_260 = arith.constant 0 : i32
    %dma_start3A_261 = tpu.memref_slice %arg3[%dma_start3A_259, %dma_start3A_260] : memref<1000000x32xf32, #tpu.memory_space<hbm>> -> memref<1000000x32xf32, #tpu.memory_space<hbm>>
    tpu.enqueue_indirect_dma source(%dma_start3A_261 : memref<1000000x32xf32, #tpu.memory_space<hbm>>) target(%dma_start3A_255 : memref<128x32xf32, #tpu.memory_space<vmem>>) offsets(%dma_start3A_258 : memref<128xi32, #tpu.memory_space<vmem>>) semaphore(%arg7 : memref<!tpu.dma_semaphore, #tpu.memory_space<semaphore_mem>>)
    %dma_wait3A = arith.constant 0 : i32
    %dma_wait3A_262 = arith.constant 0 : i32
    %dma_wait3A_263 = arith.constant 0 : i32
    %dma_wait3A_264 = tpu.memref_slice %arg6[%dma_wait3A_262, %dma_wait3A_263] : memref<3328x32xf32, #tpu.memory_space<vmem>> -> memref<128x32xf32, #tpu.memory_space<vmem>>
    %dma_wait3A_265 = arith.constant 0 : i32
    %dma_wait3A_266 = tpu.memref_slice %arg5[%dma_wait3A, %dma_wait3A_265] : memref<26x128xi32, #tpu.memory_space<vmem>> -> memref<1x128xi32, #tpu.memory_space<vmem>>
    %dma_wait3A_267 = tpu.memref_squeeze %dma_wait3A_266 : memref<1x128xi32, #tpu.memory_space<vmem>> -> memref<128xi32, #tpu.memory_space<vmem>>
    %dma_wait3A_268 = arith.constant 0 : i32
    %dma_wait3A_269 = arith.constant 0 : i32
    %dma_wait3A_270 = tpu.memref_slice %arg3[%dma_wait3A_268, %dma_wait3A_269] : memref<1000000x32xf32, #tpu.memory_space<hbm>> -> memref<1000000x32xf32, #tpu.memory_space<hbm>>
    tpu.wait_indirect_dma semaphore(%arg7 : memref<!tpu.dma_semaphore, #tpu.memory_space<semaphore_mem>>) src(%dma_wait3A_270 : memref<1000000x32xf32, #tpu.memory_space<hbm>>) dst(%dma_wait3A_264 : memref<128x32xf32, #tpu.memory_space<vmem>>)
    %dma_wait3A_271 = arith.constant 1 : i32
    %dma_wait3A_272 = arith.constant 128 : i32
    %dma_wait3A_273 = arith.constant 0 : i32
    %dma_wait3A_274 = tpu.memref_slice %arg6[%dma_wait3A_272, %dma_wait3A_273] : memref<3328x32xf32, #tpu.memory_space<vmem>> -> memref<128x32xf32, #tpu.memory_space<vmem>>
    %dma_wait3A_275 = arith.constant 0 : i32
    %dma_wait3A_276 = tpu.memref_slice %arg5[%dma_wait3A_271, %dma_wait3A_275] : memref<26x128xi32, #tpu.memory_space<vmem>> -> memref<1x128xi32, #tpu.memory_space<vmem>>
    %dma_wait3A_277 = tpu.memref_squeeze %dma_wait3A_276 : memref<1x128xi32, #tpu.memory_space<vmem>> -> memref<128xi32, #tpu.memory_space<vmem>>
    %dma_wait3A_278 = arith.constant 0 : i32
    %dma_wait3A_279 = arith.constant 0 : i32
    %dma_wait3A_280 = tpu.memref_slice %arg3[%dma_wait3A_278, %dma_wait3A_279] : memref<1000000x32xf32, #tpu.memory_space<hbm>> -> memref<1000000x32xf32, #tpu.memory_space<hbm>>
    tpu.wait_indirect_dma semaphore(%arg7 : memref<!tpu.dma_semaphore, #tpu.memory_space<semaphore_mem>>) src(%dma_wait3A_280 : memref<1000000x32xf32, #tpu.memory_space<hbm>>) dst(%dma_wait3A_274 : memref<128x32xf32, #tpu.memory_space<vmem>>)
    %dma_wait3A_281 = arith.constant 2 : i32
    %dma_wait3A_282 = arith.constant 256 : i32
    %dma_wait3A_283 = arith.constant 0 : i32
    %dma_wait3A_284 = tpu.memref_slice %arg6[%dma_wait3A_282, %dma_wait3A_283] : memref<3328x32xf32, #tpu.memory_space<vmem>> -> memref<128x32xf32, #tpu.memory_space<vmem>>
    %dma_wait3A_285 = arith.constant 0 : i32
    %dma_wait3A_286 = tpu.memref_slice %arg5[%dma_wait3A_281, %dma_wait3A_285] : memref<26x128xi32, #tpu.memory_space<vmem>> -> memref<1x128xi32, #tpu.memory_space<vmem>>
    %dma_wait3A_287 = tpu.memref_squeeze %dma_wait3A_286 : memref<1x128xi32, #tpu.memory_space<vmem>> -> memref<128xi32, #tpu.memory_space<vmem>>
    %dma_wait3A_288 = arith.constant 0 : i32
    %dma_wait3A_289 = arith.constant 0 : i32
    %dma_wait3A_290 = tpu.memref_slice %arg3[%dma_wait3A_288, %dma_wait3A_289] : memref<1000000x32xf32, #tpu.memory_space<hbm>> -> memref<1000000x32xf32, #tpu.memory_space<hbm>>
    tpu.wait_indirect_dma semaphore(%arg7 : memref<!tpu.dma_semaphore, #tpu.memory_space<semaphore_mem>>) src(%dma_wait3A_290 : memref<1000000x32xf32, #tpu.memory_space<hbm>>) dst(%dma_wait3A_284 : memref<128x32xf32, #tpu.memory_space<vmem>>)
    %dma_wait3A_291 = arith.constant 3 : i32
    %dma_wait3A_292 = arith.constant 384 : i32
    %dma_wait3A_293 = arith.constant 0 : i32
    %dma_wait3A_294 = tpu.memref_slice %arg6[%dma_wait3A_292, %dma_wait3A_293] : memref<3328x32xf32, #tpu.memory_space<vmem>> -> memref<128x32xf32, #tpu.memory_space<vmem>>
    %dma_wait3A_295 = arith.constant 0 : i32
    %dma_wait3A_296 = tpu.memref_slice %arg5[%dma_wait3A_291, %dma_wait3A_295] : memref<26x128xi32, #tpu.memory_space<vmem>> -> memref<1x128xi32, #tpu.memory_space<vmem>>
    %dma_wait3A_297 = tpu.memref_squeeze %dma_wait3A_296 : memref<1x128xi32, #tpu.memory_space<vmem>> -> memref<128xi32, #tpu.memory_space<vmem>>
    %dma_wait3A_298 = arith.constant 0 : i32
    %dma_wait3A_299 = arith.constant 0 : i32
    %dma_wait3A_300 = tpu.memref_slice %arg3[%dma_wait3A_298, %dma_wait3A_299] : memref<1000000x32xf32, #tpu.memory_space<hbm>> -> memref<1000000x32xf32, #tpu.memory_space<hbm>>
    tpu.wait_indirect_dma semaphore(%arg7 : memref<!tpu.dma_semaphore, #tpu.memory_space<semaphore_mem>>) src(%dma_wait3A_300 : memref<1000000x32xf32, #tpu.memory_space<hbm>>) dst(%dma_wait3A_294 : memref<128x32xf32, #tpu.memory_space<vmem>>)
    %dma_wait3A_301 = arith.constant 4 : i32
    %dma_wait3A_302 = arith.constant 512 : i32
    %dma_wait3A_303 = arith.constant 0 : i32
    %dma_wait3A_304 = tpu.memref_slice %arg6[%dma_wait3A_302, %dma_wait3A_303] : memref<3328x32xf32, #tpu.memory_space<vmem>> -> memref<128x32xf32, #tpu.memory_space<vmem>>
    %dma_wait3A_305 = arith.constant 0 : i32
    %dma_wait3A_306 = tpu.memref_slice %arg5[%dma_wait3A_301, %dma_wait3A_305] : memref<26x128xi32, #tpu.memory_space<vmem>> -> memref<1x128xi32, #tpu.memory_space<vmem>>
    %dma_wait3A_307 = tpu.memref_squeeze %dma_wait3A_306 : memref<1x128xi32, #tpu.memory_space<vmem>> -> memref<128xi32, #tpu.memory_space<vmem>>
    %dma_wait3A_308 = arith.constant 0 : i32
    %dma_wait3A_309 = arith.constant 0 : i32
    %dma_wait3A_310 = tpu.memref_slice %arg3[%dma_wait3A_308, %dma_wait3A_309] : memref<1000000x32xf32, #tpu.memory_space<hbm>> -> memref<1000000x32xf32, #tpu.memory_space<hbm>>
    tpu.wait_indirect_dma semaphore(%arg7 : memref<!tpu.dma_semaphore, #tpu.memory_space<semaphore_mem>>) src(%dma_wait3A_310 : memref<1000000x32xf32, #tpu.memory_space<hbm>>) dst(%dma_wait3A_304 : memref<128x32xf32, #tpu.memory_space<vmem>>)
    %dma_wait3A_311 = arith.constant 5 : i32
    %dma_wait3A_312 = arith.constant 640 : i32
    %dma_wait3A_313 = arith.constant 0 : i32
    %dma_wait3A_314 = tpu.memref_slice %arg6[%dma_wait3A_312, %dma_wait3A_313] : memref<3328x32xf32, #tpu.memory_space<vmem>> -> memref<128x32xf32, #tpu.memory_space<vmem>>
    %dma_wait3A_315 = arith.constant 0 : i32
    %dma_wait3A_316 = tpu.memref_slice %arg5[%dma_wait3A_311, %dma_wait3A_315] : memref<26x128xi32, #tpu.memory_space<vmem>> -> memref<1x128xi32, #tpu.memory_space<vmem>>
    %dma_wait3A_317 = tpu.memref_squeeze %dma_wait3A_316 : memref<1x128xi32, #tpu.memory_space<vmem>> -> memref<128xi32, #tpu.memory_space<vmem>>
    %dma_wait3A_318 = arith.constant 0 : i32
    %dma_wait3A_319 = arith.constant 0 : i32
    %dma_wait3A_320 = tpu.memref_slice %arg3[%dma_wait3A_318, %dma_wait3A_319] : memref<1000000x32xf32, #tpu.memory_space<hbm>> -> memref<1000000x32xf32, #tpu.memory_space<hbm>>
    tpu.wait_indirect_dma semaphore(%arg7 : memref<!tpu.dma_semaphore, #tpu.memory_space<semaphore_mem>>) src(%dma_wait3A_320 : memref<1000000x32xf32, #tpu.memory_space<hbm>>) dst(%dma_wait3A_314 : memref<128x32xf32, #tpu.memory_space<vmem>>)
    %dma_wait3A_321 = arith.constant 6 : i32
    %dma_wait3A_322 = arith.constant 768 : i32
    %dma_wait3A_323 = arith.constant 0 : i32
    %dma_wait3A_324 = tpu.memref_slice %arg6[%dma_wait3A_322, %dma_wait3A_323] : memref<3328x32xf32, #tpu.memory_space<vmem>> -> memref<128x32xf32, #tpu.memory_space<vmem>>
    %dma_wait3A_325 = arith.constant 0 : i32
    %dma_wait3A_326 = tpu.memref_slice %arg5[%dma_wait3A_321, %dma_wait3A_325] : memref<26x128xi32, #tpu.memory_space<vmem>> -> memref<1x128xi32, #tpu.memory_space<vmem>>
    %dma_wait3A_327 = tpu.memref_squeeze %dma_wait3A_326 : memref<1x128xi32, #tpu.memory_space<vmem>> -> memref<128xi32, #tpu.memory_space<vmem>>
    %dma_wait3A_328 = arith.constant 0 : i32
    %dma_wait3A_329 = arith.constant 0 : i32
    %dma_wait3A_330 = tpu.memref_slice %arg3[%dma_wait3A_328, %dma_wait3A_329] : memref<1000000x32xf32, #tpu.memory_space<hbm>> -> memref<1000000x32xf32, #tpu.memory_space<hbm>>
    tpu.wait_indirect_dma semaphore(%arg7 : memref<!tpu.dma_semaphore, #tpu.memory_space<semaphore_mem>>) src(%dma_wait3A_330 : memref<1000000x32xf32, #tpu.memory_space<hbm>>) dst(%dma_wait3A_324 : memref<128x32xf32, #tpu.memory_space<vmem>>)
    %dma_wait3A_331 = arith.constant 7 : i32
    %dma_wait3A_332 = arith.constant 896 : i32
    %dma_wait3A_333 = arith.constant 0 : i32
    %dma_wait3A_334 = tpu.memref_slice %arg6[%dma_wait3A_332, %dma_wait3A_333] : memref<3328x32xf32, #tpu.memory_space<vmem>> -> memref<128x32xf32, #tpu.memory_space<vmem>>
    %dma_wait3A_335 = arith.constant 0 : i32
    %dma_wait3A_336 = tpu.memref_slice %arg5[%dma_wait3A_331, %dma_wait3A_335] : memref<26x128xi32, #tpu.memory_space<vmem>> -> memref<1x128xi32, #tpu.memory_space<vmem>>
    %dma_wait3A_337 = tpu.memref_squeeze %dma_wait3A_336 : memref<1x128xi32, #tpu.memory_space<vmem>> -> memref<128xi32, #tpu.memory_space<vmem>>
    %dma_wait3A_338 = arith.constant 0 : i32
    %dma_wait3A_339 = arith.constant 0 : i32
    %dma_wait3A_340 = tpu.memref_slice %arg3[%dma_wait3A_338, %dma_wait3A_339] : memref<1000000x32xf32, #tpu.memory_space<hbm>> -> memref<1000000x32xf32, #tpu.memory_space<hbm>>
    tpu.wait_indirect_dma semaphore(%arg7 : memref<!tpu.dma_semaphore, #tpu.memory_space<semaphore_mem>>) src(%dma_wait3A_340 : memref<1000000x32xf32, #tpu.memory_space<hbm>>) dst(%dma_wait3A_334 : memref<128x32xf32, #tpu.memory_space<vmem>>)
    %dma_wait3A_341 = arith.constant 8 : i32
    %dma_wait3A_342 = arith.constant 1024 : i32
    %dma_wait3A_343 = arith.constant 0 : i32
    %dma_wait3A_344 = tpu.memref_slice %arg6[%dma_wait3A_342, %dma_wait3A_343] : memref<3328x32xf32, #tpu.memory_space<vmem>> -> memref<128x32xf32, #tpu.memory_space<vmem>>
    %dma_wait3A_345 = arith.constant 0 : i32
    %dma_wait3A_346 = tpu.memref_slice %arg5[%dma_wait3A_341, %dma_wait3A_345] : memref<26x128xi32, #tpu.memory_space<vmem>> -> memref<1x128xi32, #tpu.memory_space<vmem>>
    %dma_wait3A_347 = tpu.memref_squeeze %dma_wait3A_346 : memref<1x128xi32, #tpu.memory_space<vmem>> -> memref<128xi32, #tpu.memory_space<vmem>>
    %dma_wait3A_348 = arith.constant 0 : i32
    %dma_wait3A_349 = arith.constant 0 : i32
    %dma_wait3A_350 = tpu.memref_slice %arg3[%dma_wait3A_348, %dma_wait3A_349] : memref<1000000x32xf32, #tpu.memory_space<hbm>> -> memref<1000000x32xf32, #tpu.memory_space<hbm>>
    tpu.wait_indirect_dma semaphore(%arg7 : memref<!tpu.dma_semaphore, #tpu.memory_space<semaphore_mem>>) src(%dma_wait3A_350 : memref<1000000x32xf32, #tpu.memory_space<hbm>>) dst(%dma_wait3A_344 : memref<128x32xf32, #tpu.memory_space<vmem>>)
    %dma_wait3A_351 = arith.constant 9 : i32
    %dma_wait3A_352 = arith.constant 1152 : i32
    %dma_wait3A_353 = arith.constant 0 : i32
    %dma_wait3A_354 = tpu.memref_slice %arg6[%dma_wait3A_352, %dma_wait3A_353] : memref<3328x32xf32, #tpu.memory_space<vmem>> -> memref<128x32xf32, #tpu.memory_space<vmem>>
    %dma_wait3A_355 = arith.constant 0 : i32
    %dma_wait3A_356 = tpu.memref_slice %arg5[%dma_wait3A_351, %dma_wait3A_355] : memref<26x128xi32, #tpu.memory_space<vmem>> -> memref<1x128xi32, #tpu.memory_space<vmem>>
    %dma_wait3A_357 = tpu.memref_squeeze %dma_wait3A_356 : memref<1x128xi32, #tpu.memory_space<vmem>> -> memref<128xi32, #tpu.memory_space<vmem>>
    %dma_wait3A_358 = arith.constant 0 : i32
    %dma_wait3A_359 = arith.constant 0 : i32
    %dma_wait3A_360 = tpu.memref_slice %arg3[%dma_wait3A_358, %dma_wait3A_359] : memref<1000000x32xf32, #tpu.memory_space<hbm>> -> memref<1000000x32xf32, #tpu.memory_space<hbm>>
    tpu.wait_indirect_dma semaphore(%arg7 : memref<!tpu.dma_semaphore, #tpu.memory_space<semaphore_mem>>) src(%dma_wait3A_360 : memref<1000000x32xf32, #tpu.memory_space<hbm>>) dst(%dma_wait3A_354 : memref<128x32xf32, #tpu.memory_space<vmem>>)
    %dma_wait3A_361 = arith.constant 10 : i32
    %dma_wait3A_362 = arith.constant 1280 : i32
    %dma_wait3A_363 = arith.constant 0 : i32
    %dma_wait3A_364 = tpu.memref_slice %arg6[%dma_wait3A_362, %dma_wait3A_363] : memref<3328x32xf32, #tpu.memory_space<vmem>> -> memref<128x32xf32, #tpu.memory_space<vmem>>
    %dma_wait3A_365 = arith.constant 0 : i32
    %dma_wait3A_366 = tpu.memref_slice %arg5[%dma_wait3A_361, %dma_wait3A_365] : memref<26x128xi32, #tpu.memory_space<vmem>> -> memref<1x128xi32, #tpu.memory_space<vmem>>
    %dma_wait3A_367 = tpu.memref_squeeze %dma_wait3A_366 : memref<1x128xi32, #tpu.memory_space<vmem>> -> memref<128xi32, #tpu.memory_space<vmem>>
    %dma_wait3A_368 = arith.constant 0 : i32
    %dma_wait3A_369 = arith.constant 0 : i32
    %dma_wait3A_370 = tpu.memref_slice %arg3[%dma_wait3A_368, %dma_wait3A_369] : memref<1000000x32xf32, #tpu.memory_space<hbm>> -> memref<1000000x32xf32, #tpu.memory_space<hbm>>
    tpu.wait_indirect_dma semaphore(%arg7 : memref<!tpu.dma_semaphore, #tpu.memory_space<semaphore_mem>>) src(%dma_wait3A_370 : memref<1000000x32xf32, #tpu.memory_space<hbm>>) dst(%dma_wait3A_364 : memref<128x32xf32, #tpu.memory_space<vmem>>)
    %dma_wait3A_371 = arith.constant 11 : i32
    %dma_wait3A_372 = arith.constant 1408 : i32
    %dma_wait3A_373 = arith.constant 0 : i32
    %dma_wait3A_374 = tpu.memref_slice %arg6[%dma_wait3A_372, %dma_wait3A_373] : memref<3328x32xf32, #tpu.memory_space<vmem>> -> memref<128x32xf32, #tpu.memory_space<vmem>>
    %dma_wait3A_375 = arith.constant 0 : i32
    %dma_wait3A_376 = tpu.memref_slice %arg5[%dma_wait3A_371, %dma_wait3A_375] : memref<26x128xi32, #tpu.memory_space<vmem>> -> memref<1x128xi32, #tpu.memory_space<vmem>>
    %dma_wait3A_377 = tpu.memref_squeeze %dma_wait3A_376 : memref<1x128xi32, #tpu.memory_space<vmem>> -> memref<128xi32, #tpu.memory_space<vmem>>
    %dma_wait3A_378 = arith.constant 0 : i32
    %dma_wait3A_379 = arith.constant 0 : i32
    %dma_wait3A_380 = tpu.memref_slice %arg3[%dma_wait3A_378, %dma_wait3A_379] : memref<1000000x32xf32, #tpu.memory_space<hbm>> -> memref<1000000x32xf32, #tpu.memory_space<hbm>>
    tpu.wait_indirect_dma semaphore(%arg7 : memref<!tpu.dma_semaphore, #tpu.memory_space<semaphore_mem>>) src(%dma_wait3A_380 : memref<1000000x32xf32, #tpu.memory_space<hbm>>) dst(%dma_wait3A_374 : memref<128x32xf32, #tpu.memory_space<vmem>>)
    %dma_wait3A_381 = arith.constant 12 : i32
    %dma_wait3A_382 = arith.constant 1536 : i32
    %dma_wait3A_383 = arith.constant 0 : i32
    %dma_wait3A_384 = tpu.memref_slice %arg6[%dma_wait3A_382, %dma_wait3A_383] : memref<3328x32xf32, #tpu.memory_space<vmem>> -> memref<128x32xf32, #tpu.memory_space<vmem>>
    %dma_wait3A_385 = arith.constant 0 : i32
    %dma_wait3A_386 = tpu.memref_slice %arg5[%dma_wait3A_381, %dma_wait3A_385] : memref<26x128xi32, #tpu.memory_space<vmem>> -> memref<1x128xi32, #tpu.memory_space<vmem>>
    %dma_wait3A_387 = tpu.memref_squeeze %dma_wait3A_386 : memref<1x128xi32, #tpu.memory_space<vmem>> -> memref<128xi32, #tpu.memory_space<vmem>>
    %dma_wait3A_388 = arith.constant 0 : i32
    %dma_wait3A_389 = arith.constant 0 : i32
    %dma_wait3A_390 = tpu.memref_slice %arg3[%dma_wait3A_388, %dma_wait3A_389] : memref<1000000x32xf32, #tpu.memory_space<hbm>> -> memref<1000000x32xf32, #tpu.memory_space<hbm>>
    tpu.wait_indirect_dma semaphore(%arg7 : memref<!tpu.dma_semaphore, #tpu.memory_space<semaphore_mem>>) src(%dma_wait3A_390 : memref<1000000x32xf32, #tpu.memory_space<hbm>>) dst(%dma_wait3A_384 : memref<128x32xf32, #tpu.memory_space<vmem>>)
    %dma_wait3A_391 = arith.constant 13 : i32
    %dma_wait3A_392 = arith.constant 1664 : i32
    %dma_wait3A_393 = arith.constant 0 : i32
    %dma_wait3A_394 = tpu.memref_slice %arg6[%dma_wait3A_392, %dma_wait3A_393] : memref<3328x32xf32, #tpu.memory_space<vmem>> -> memref<128x32xf32, #tpu.memory_space<vmem>>
    %dma_wait3A_395 = arith.constant 0 : i32
    %dma_wait3A_396 = tpu.memref_slice %arg5[%dma_wait3A_391, %dma_wait3A_395] : memref<26x128xi32, #tpu.memory_space<vmem>> -> memref<1x128xi32, #tpu.memory_space<vmem>>
    %dma_wait3A_397 = tpu.memref_squeeze %dma_wait3A_396 : memref<1x128xi32, #tpu.memory_space<vmem>> -> memref<128xi32, #tpu.memory_space<vmem>>
    %dma_wait3A_398 = arith.constant 0 : i32
    %dma_wait3A_399 = arith.constant 0 : i32
    %dma_wait3A_400 = tpu.memref_slice %arg3[%dma_wait3A_398, %dma_wait3A_399] : memref<1000000x32xf32, #tpu.memory_space<hbm>> -> memref<1000000x32xf32, #tpu.memory_space<hbm>>
    tpu.wait_indirect_dma semaphore(%arg7 : memref<!tpu.dma_semaphore, #tpu.memory_space<semaphore_mem>>) src(%dma_wait3A_400 : memref<1000000x32xf32, #tpu.memory_space<hbm>>) dst(%dma_wait3A_394 : memref<128x32xf32, #tpu.memory_space<vmem>>)
    %dma_wait3A_401 = arith.constant 14 : i32
    %dma_wait3A_402 = arith.constant 1792 : i32
    %dma_wait3A_403 = arith.constant 0 : i32
    %dma_wait3A_404 = tpu.memref_slice %arg6[%dma_wait3A_402, %dma_wait3A_403] : memref<3328x32xf32, #tpu.memory_space<vmem>> -> memref<128x32xf32, #tpu.memory_space<vmem>>
    %dma_wait3A_405 = arith.constant 0 : i32
    %dma_wait3A_406 = tpu.memref_slice %arg5[%dma_wait3A_401, %dma_wait3A_405] : memref<26x128xi32, #tpu.memory_space<vmem>> -> memref<1x128xi32, #tpu.memory_space<vmem>>
    %dma_wait3A_407 = tpu.memref_squeeze %dma_wait3A_406 : memref<1x128xi32, #tpu.memory_space<vmem>> -> memref<128xi32, #tpu.memory_space<vmem>>
    %dma_wait3A_408 = arith.constant 0 : i32
    %dma_wait3A_409 = arith.constant 0 : i32
    %dma_wait3A_410 = tpu.memref_slice %arg3[%dma_wait3A_408, %dma_wait3A_409] : memref<1000000x32xf32, #tpu.memory_space<hbm>> -> memref<1000000x32xf32, #tpu.memory_space<hbm>>
    tpu.wait_indirect_dma semaphore(%arg7 : memref<!tpu.dma_semaphore, #tpu.memory_space<semaphore_mem>>) src(%dma_wait3A_410 : memref<1000000x32xf32, #tpu.memory_space<hbm>>) dst(%dma_wait3A_404 : memref<128x32xf32, #tpu.memory_space<vmem>>)
    %dma_wait3A_411 = arith.constant 15 : i32
    %dma_wait3A_412 = arith.constant 1920 : i32
    %dma_wait3A_413 = arith.constant 0 : i32
    %dma_wait3A_414 = tpu.memref_slice %arg6[%dma_wait3A_412, %dma_wait3A_413] : memref<3328x32xf32, #tpu.memory_space<vmem>> -> memref<128x32xf32, #tpu.memory_space<vmem>>
    %dma_wait3A_415 = arith.constant 0 : i32
    %dma_wait3A_416 = tpu.memref_slice %arg5[%dma_wait3A_411, %dma_wait3A_415] : memref<26x128xi32, #tpu.memory_space<vmem>> -> memref<1x128xi32, #tpu.memory_space<vmem>>
    %dma_wait3A_417 = tpu.memref_squeeze %dma_wait3A_416 : memref<1x128xi32, #tpu.memory_space<vmem>> -> memref<128xi32, #tpu.memory_space<vmem>>
    %dma_wait3A_418 = arith.constant 0 : i32
    %dma_wait3A_419 = arith.constant 0 : i32
    %dma_wait3A_420 = tpu.memref_slice %arg3[%dma_wait3A_418, %dma_wait3A_419] : memref<1000000x32xf32, #tpu.memory_space<hbm>> -> memref<1000000x32xf32, #tpu.memory_space<hbm>>
    tpu.wait_indirect_dma semaphore(%arg7 : memref<!tpu.dma_semaphore, #tpu.memory_space<semaphore_mem>>) src(%dma_wait3A_420 : memref<1000000x32xf32, #tpu.memory_space<hbm>>) dst(%dma_wait3A_414 : memref<128x32xf32, #tpu.memory_space<vmem>>)
    %dma_wait3A_421 = arith.constant 16 : i32
    %dma_wait3A_422 = arith.constant 2048 : i32
    %dma_wait3A_423 = arith.constant 0 : i32
    %dma_wait3A_424 = tpu.memref_slice %arg6[%dma_wait3A_422, %dma_wait3A_423] : memref<3328x32xf32, #tpu.memory_space<vmem>> -> memref<128x32xf32, #tpu.memory_space<vmem>>
    %dma_wait3A_425 = arith.constant 0 : i32
    %dma_wait3A_426 = tpu.memref_slice %arg5[%dma_wait3A_421, %dma_wait3A_425] : memref<26x128xi32, #tpu.memory_space<vmem>> -> memref<1x128xi32, #tpu.memory_space<vmem>>
    %dma_wait3A_427 = tpu.memref_squeeze %dma_wait3A_426 : memref<1x128xi32, #tpu.memory_space<vmem>> -> memref<128xi32, #tpu.memory_space<vmem>>
    %dma_wait3A_428 = arith.constant 0 : i32
    %dma_wait3A_429 = arith.constant 0 : i32
    %dma_wait3A_430 = tpu.memref_slice %arg3[%dma_wait3A_428, %dma_wait3A_429] : memref<1000000x32xf32, #tpu.memory_space<hbm>> -> memref<1000000x32xf32, #tpu.memory_space<hbm>>
    tpu.wait_indirect_dma semaphore(%arg7 : memref<!tpu.dma_semaphore, #tpu.memory_space<semaphore_mem>>) src(%dma_wait3A_430 : memref<1000000x32xf32, #tpu.memory_space<hbm>>) dst(%dma_wait3A_424 : memref<128x32xf32, #tpu.memory_space<vmem>>)
    %dma_wait3A_431 = arith.constant 17 : i32
    %dma_wait3A_432 = arith.constant 2176 : i32
    %dma_wait3A_433 = arith.constant 0 : i32
    %dma_wait3A_434 = tpu.memref_slice %arg6[%dma_wait3A_432, %dma_wait3A_433] : memref<3328x32xf32, #tpu.memory_space<vmem>> -> memref<128x32xf32, #tpu.memory_space<vmem>>
    %dma_wait3A_435 = arith.constant 0 : i32
    %dma_wait3A_436 = tpu.memref_slice %arg5[%dma_wait3A_431, %dma_wait3A_435] : memref<26x128xi32, #tpu.memory_space<vmem>> -> memref<1x128xi32, #tpu.memory_space<vmem>>
    %dma_wait3A_437 = tpu.memref_squeeze %dma_wait3A_436 : memref<1x128xi32, #tpu.memory_space<vmem>> -> memref<128xi32, #tpu.memory_space<vmem>>
    %dma_wait3A_438 = arith.constant 0 : i32
    %dma_wait3A_439 = arith.constant 0 : i32
    %dma_wait3A_440 = tpu.memref_slice %arg3[%dma_wait3A_438, %dma_wait3A_439] : memref<1000000x32xf32, #tpu.memory_space<hbm>> -> memref<1000000x32xf32, #tpu.memory_space<hbm>>
    tpu.wait_indirect_dma semaphore(%arg7 : memref<!tpu.dma_semaphore, #tpu.memory_space<semaphore_mem>>) src(%dma_wait3A_440 : memref<1000000x32xf32, #tpu.memory_space<hbm>>) dst(%dma_wait3A_434 : memref<128x32xf32, #tpu.memory_space<vmem>>)
    %dma_wait3A_441 = arith.constant 18 : i32
    %dma_wait3A_442 = arith.constant 2304 : i32
    %dma_wait3A_443 = arith.constant 0 : i32
    %dma_wait3A_444 = tpu.memref_slice %arg6[%dma_wait3A_442, %dma_wait3A_443] : memref<3328x32xf32, #tpu.memory_space<vmem>> -> memref<128x32xf32, #tpu.memory_space<vmem>>
    %dma_wait3A_445 = arith.constant 0 : i32
    %dma_wait3A_446 = tpu.memref_slice %arg5[%dma_wait3A_441, %dma_wait3A_445] : memref<26x128xi32, #tpu.memory_space<vmem>> -> memref<1x128xi32, #tpu.memory_space<vmem>>
    %dma_wait3A_447 = tpu.memref_squeeze %dma_wait3A_446 : memref<1x128xi32, #tpu.memory_space<vmem>> -> memref<128xi32, #tpu.memory_space<vmem>>
    %dma_wait3A_448 = arith.constant 0 : i32
    %dma_wait3A_449 = arith.constant 0 : i32
    %dma_wait3A_450 = tpu.memref_slice %arg3[%dma_wait3A_448, %dma_wait3A_449] : memref<1000000x32xf32, #tpu.memory_space<hbm>> -> memref<1000000x32xf32, #tpu.memory_space<hbm>>
    tpu.wait_indirect_dma semaphore(%arg7 : memref<!tpu.dma_semaphore, #tpu.memory_space<semaphore_mem>>) src(%dma_wait3A_450 : memref<1000000x32xf32, #tpu.memory_space<hbm>>) dst(%dma_wait3A_444 : memref<128x32xf32, #tpu.memory_space<vmem>>)
    %dma_wait3A_451 = arith.constant 19 : i32
    %dma_wait3A_452 = arith.constant 2432 : i32
    %dma_wait3A_453 = arith.constant 0 : i32
    %dma_wait3A_454 = tpu.memref_slice %arg6[%dma_wait3A_452, %dma_wait3A_453] : memref<3328x32xf32, #tpu.memory_space<vmem>> -> memref<128x32xf32, #tpu.memory_space<vmem>>
    %dma_wait3A_455 = arith.constant 0 : i32
    %dma_wait3A_456 = tpu.memref_slice %arg5[%dma_wait3A_451, %dma_wait3A_455] : memref<26x128xi32, #tpu.memory_space<vmem>> -> memref<1x128xi32, #tpu.memory_space<vmem>>
    %dma_wait3A_457 = tpu.memref_squeeze %dma_wait3A_456 : memref<1x128xi32, #tpu.memory_space<vmem>> -> memref<128xi32, #tpu.memory_space<vmem>>
    %dma_wait3A_458 = arith.constant 0 : i32
    %dma_wait3A_459 = arith.constant 0 : i32
    %dma_wait3A_460 = tpu.memref_slice %arg3[%dma_wait3A_458, %dma_wait3A_459] : memref<1000000x32xf32, #tpu.memory_space<hbm>> -> memref<1000000x32xf32, #tpu.memory_space<hbm>>
    tpu.wait_indirect_dma semaphore(%arg7 : memref<!tpu.dma_semaphore, #tpu.memory_space<semaphore_mem>>) src(%dma_wait3A_460 : memref<1000000x32xf32, #tpu.memory_space<hbm>>) dst(%dma_wait3A_454 : memref<128x32xf32, #tpu.memory_space<vmem>>)
    %dma_wait3A_461 = arith.constant 20 : i32
    %dma_wait3A_462 = arith.constant 2560 : i32
    %dma_wait3A_463 = arith.constant 0 : i32
    %dma_wait3A_464 = tpu.memref_slice %arg6[%dma_wait3A_462, %dma_wait3A_463] : memref<3328x32xf32, #tpu.memory_space<vmem>> -> memref<128x32xf32, #tpu.memory_space<vmem>>
    %dma_wait3A_465 = arith.constant 0 : i32
    %dma_wait3A_466 = tpu.memref_slice %arg5[%dma_wait3A_461, %dma_wait3A_465] : memref<26x128xi32, #tpu.memory_space<vmem>> -> memref<1x128xi32, #tpu.memory_space<vmem>>
    %dma_wait3A_467 = tpu.memref_squeeze %dma_wait3A_466 : memref<1x128xi32, #tpu.memory_space<vmem>> -> memref<128xi32, #tpu.memory_space<vmem>>
    %dma_wait3A_468 = arith.constant 0 : i32
    %dma_wait3A_469 = arith.constant 0 : i32
    %dma_wait3A_470 = tpu.memref_slice %arg3[%dma_wait3A_468, %dma_wait3A_469] : memref<1000000x32xf32, #tpu.memory_space<hbm>> -> memref<1000000x32xf32, #tpu.memory_space<hbm>>
    tpu.wait_indirect_dma semaphore(%arg7 : memref<!tpu.dma_semaphore, #tpu.memory_space<semaphore_mem>>) src(%dma_wait3A_470 : memref<1000000x32xf32, #tpu.memory_space<hbm>>) dst(%dma_wait3A_464 : memref<128x32xf32, #tpu.memory_space<vmem>>)
    %dma_wait3A_471 = arith.constant 21 : i32
    %dma_wait3A_472 = arith.constant 2688 : i32
    %dma_wait3A_473 = arith.constant 0 : i32
    %dma_wait3A_474 = tpu.memref_slice %arg6[%dma_wait3A_472, %dma_wait3A_473] : memref<3328x32xf32, #tpu.memory_space<vmem>> -> memref<128x32xf32, #tpu.memory_space<vmem>>
    %dma_wait3A_475 = arith.constant 0 : i32
    %dma_wait3A_476 = tpu.memref_slice %arg5[%dma_wait3A_471, %dma_wait3A_475] : memref<26x128xi32, #tpu.memory_space<vmem>> -> memref<1x128xi32, #tpu.memory_space<vmem>>
    %dma_wait3A_477 = tpu.memref_squeeze %dma_wait3A_476 : memref<1x128xi32, #tpu.memory_space<vmem>> -> memref<128xi32, #tpu.memory_space<vmem>>
    %dma_wait3A_478 = arith.constant 0 : i32
    %dma_wait3A_479 = arith.constant 0 : i32
    %dma_wait3A_480 = tpu.memref_slice %arg3[%dma_wait3A_478, %dma_wait3A_479] : memref<1000000x32xf32, #tpu.memory_space<hbm>> -> memref<1000000x32xf32, #tpu.memory_space<hbm>>
    tpu.wait_indirect_dma semaphore(%arg7 : memref<!tpu.dma_semaphore, #tpu.memory_space<semaphore_mem>>) src(%dma_wait3A_480 : memref<1000000x32xf32, #tpu.memory_space<hbm>>) dst(%dma_wait3A_474 : memref<128x32xf32, #tpu.memory_space<vmem>>)
    %dma_wait3A_481 = arith.constant 22 : i32
    %dma_wait3A_482 = arith.constant 2816 : i32
    %dma_wait3A_483 = arith.constant 0 : i32
    %dma_wait3A_484 = tpu.memref_slice %arg6[%dma_wait3A_482, %dma_wait3A_483] : memref<3328x32xf32, #tpu.memory_space<vmem>> -> memref<128x32xf32, #tpu.memory_space<vmem>>
    %dma_wait3A_485 = arith.constant 0 : i32
    %dma_wait3A_486 = tpu.memref_slice %arg5[%dma_wait3A_481, %dma_wait3A_485] : memref<26x128xi32, #tpu.memory_space<vmem>> -> memref<1x128xi32, #tpu.memory_space<vmem>>
    %dma_wait3A_487 = tpu.memref_squeeze %dma_wait3A_486 : memref<1x128xi32, #tpu.memory_space<vmem>> -> memref<128xi32, #tpu.memory_space<vmem>>
    %dma_wait3A_488 = arith.constant 0 : i32
    %dma_wait3A_489 = arith.constant 0 : i32
    %dma_wait3A_490 = tpu.memref_slice %arg3[%dma_wait3A_488, %dma_wait3A_489] : memref<1000000x32xf32, #tpu.memory_space<hbm>> -> memref<1000000x32xf32, #tpu.memory_space<hbm>>
    tpu.wait_indirect_dma semaphore(%arg7 : memref<!tpu.dma_semaphore, #tpu.memory_space<semaphore_mem>>) src(%dma_wait3A_490 : memref<1000000x32xf32, #tpu.memory_space<hbm>>) dst(%dma_wait3A_484 : memref<128x32xf32, #tpu.memory_space<vmem>>)
    %dma_wait3A_491 = arith.constant 23 : i32
    %dma_wait3A_492 = arith.constant 2944 : i32
    %dma_wait3A_493 = arith.constant 0 : i32
    %dma_wait3A_494 = tpu.memref_slice %arg6[%dma_wait3A_492, %dma_wait3A_493] : memref<3328x32xf32, #tpu.memory_space<vmem>> -> memref<128x32xf32, #tpu.memory_space<vmem>>
    %dma_wait3A_495 = arith.constant 0 : i32
    %dma_wait3A_496 = tpu.memref_slice %arg5[%dma_wait3A_491, %dma_wait3A_495] : memref<26x128xi32, #tpu.memory_space<vmem>> -> memref<1x128xi32, #tpu.memory_space<vmem>>
    %dma_wait3A_497 = tpu.memref_squeeze %dma_wait3A_496 : memref<1x128xi32, #tpu.memory_space<vmem>> -> memref<128xi32, #tpu.memory_space<vmem>>
    %dma_wait3A_498 = arith.constant 0 : i32
    %dma_wait3A_499 = arith.constant 0 : i32
    %dma_wait3A_500 = tpu.memref_slice %arg3[%dma_wait3A_498, %dma_wait3A_499] : memref<1000000x32xf32, #tpu.memory_space<hbm>> -> memref<1000000x32xf32, #tpu.memory_space<hbm>>
    tpu.wait_indirect_dma semaphore(%arg7 : memref<!tpu.dma_semaphore, #tpu.memory_space<semaphore_mem>>) src(%dma_wait3A_500 : memref<1000000x32xf32, #tpu.memory_space<hbm>>) dst(%dma_wait3A_494 : memref<128x32xf32, #tpu.memory_space<vmem>>)
    %dma_wait3A_501 = arith.constant 24 : i32
    %dma_wait3A_502 = arith.constant 3072 : i32
    %dma_wait3A_503 = arith.constant 0 : i32
    %dma_wait3A_504 = tpu.memref_slice %arg6[%dma_wait3A_502, %dma_wait3A_503] : memref<3328x32xf32, #tpu.memory_space<vmem>> -> memref<128x32xf32, #tpu.memory_space<vmem>>
    %dma_wait3A_505 = arith.constant 0 : i32
    %dma_wait3A_506 = tpu.memref_slice %arg5[%dma_wait3A_501, %dma_wait3A_505] : memref<26x128xi32, #tpu.memory_space<vmem>> -> memref<1x128xi32, #tpu.memory_space<vmem>>
    %dma_wait3A_507 = tpu.memref_squeeze %dma_wait3A_506 : memref<1x128xi32, #tpu.memory_space<vmem>> -> memref<128xi32, #tpu.memory_space<vmem>>
    %dma_wait3A_508 = arith.constant 0 : i32
    %dma_wait3A_509 = arith.constant 0 : i32
    %dma_wait3A_510 = tpu.memref_slice %arg3[%dma_wait3A_508, %dma_wait3A_509] : memref<1000000x32xf32, #tpu.memory_space<hbm>> -> memref<1000000x32xf32, #tpu.memory_space<hbm>>
    tpu.wait_indirect_dma semaphore(%arg7 : memref<!tpu.dma_semaphore, #tpu.memory_space<semaphore_mem>>) src(%dma_wait3A_510 : memref<1000000x32xf32, #tpu.memory_space<hbm>>) dst(%dma_wait3A_504 : memref<128x32xf32, #tpu.memory_space<vmem>>)
    %dma_wait3A_511 = arith.constant 25 : i32
    %dma_wait3A_512 = arith.constant 3200 : i32
    %dma_wait3A_513 = arith.constant 0 : i32
    %dma_wait3A_514 = tpu.memref_slice %arg6[%dma_wait3A_512, %dma_wait3A_513] : memref<3328x32xf32, #tpu.memory_space<vmem>> -> memref<128x32xf32, #tpu.memory_space<vmem>>
    %dma_wait3A_515 = arith.constant 0 : i32
    %dma_wait3A_516 = tpu.memref_slice %arg5[%dma_wait3A_511, %dma_wait3A_515] : memref<26x128xi32, #tpu.memory_space<vmem>> -> memref<1x128xi32, #tpu.memory_space<vmem>>
    %dma_wait3A_517 = tpu.memref_squeeze %dma_wait3A_516 : memref<1x128xi32, #tpu.memory_space<vmem>> -> memref<128xi32, #tpu.memory_space<vmem>>
    %dma_wait3A_518 = arith.constant 0 : i32
    %dma_wait3A_519 = arith.constant 0 : i32
    %dma_wait3A_520 = tpu.memref_slice %arg3[%dma_wait3A_518, %dma_wait3A_519] : memref<1000000x32xf32, #tpu.memory_space<hbm>> -> memref<1000000x32xf32, #tpu.memory_space<hbm>>
    tpu.wait_indirect_dma semaphore(%arg7 : memref<!tpu.dma_semaphore, #tpu.memory_space<semaphore_mem>>) src(%dma_wait3A_520 : memref<1000000x32xf32, #tpu.memory_space<hbm>>) dst(%dma_wait3A_514 : memref<128x32xf32, #tpu.memory_space<vmem>>)
    %mul3A_521 = arith.constant 3328 : i32
    %mul3A_522 = arith.muli %add3A, %mul3A_521 : i32
    "tpu.region"() ({
      %run_scoped3A = tpu.sem_alloc : memref<!tpu.dma_semaphore, #tpu.memory_space<semaphore_mem>>
      %dma_start3A_523 = arith.constant 0 : i32
      %dma_start3A_524 = tpu.memref_slice %arg4[%mul3A_522, %dma_start3A_523] : memref<106496x32xf32, #tpu.memory_space<hbm>> -> memref<3328x32xf32, #tpu.memory_space<hbm>>
      %dma_start3A_525 = arith.constant 0 : i32
      %dma_start3A_526 = tpu.memref_slice %arg4[%mul3A_522, %dma_start3A_525] : memref<106496x32xf32, #tpu.memory_space<hbm>> -> memref<3328x32xf32, #tpu.memory_space<hbm>>
      tpu.enqueue_dma source(%arg6 : memref<3328x32xf32, #tpu.memory_space<vmem>>) target(%dma_start3A_526 : memref<3328x32xf32, #tpu.memory_space<hbm>>) target_semaphore(%run_scoped3A : memref<!tpu.dma_semaphore, #tpu.memory_space<semaphore_mem>>)
      %dma_wait3A_527 = arith.constant 0 : i32
      %dma_wait3A_528 = tpu.memref_slice %arg4[%mul3A_522, %dma_wait3A_527] : memref<106496x32xf32, #tpu.memory_space<hbm>> -> memref<3328x32xf32, #tpu.memory_space<hbm>>
      %dma_wait3A_529 = arith.constant 0 : i32
      %dma_wait3A_530 = tpu.memref_slice %arg4[%mul3A_522, %dma_wait3A_529] : memref<106496x32xf32, #tpu.memory_space<hbm>> -> memref<3328x32xf32, #tpu.memory_space<hbm>>
      tpu.wait_dma2 semaphore(%run_scoped3A : memref<!tpu.dma_semaphore, #tpu.memory_space<semaphore_mem>>) src(%arg6 : memref<3328x32xf32, #tpu.memory_space<vmem>>) dst(%dma_wait3A_530 : memref<3328x32xf32, #tpu.memory_space<hbm>>)
      tpu.yield
    }) : () -> ()
    return
  }
}

</mosaic_0001>

<sc_bundles>
// kernel: kernel.3.cloned.1.call-start
scs
__scs_entry_jumppad:
0x0: {  	(pc) =	sbr.rel $0x88, $3  }
0x1: {  	(tag) =	ssettag $0x0;
	lr =	simm.s32 $0x1  }
0x2: {  	[smem:$0x3F9F] =	sst lr;
	_ =	strace $0xD0000000  }
0x3: {  	_ = 	snop  }
0x4: {  	_ = 	snop  }
0x5: {  	_ = 	snop  }
0x6: {  	_ = 	snop  }
0x7: {  	_ = 	snop  }
__scs_overlays_trampoline_lowered:
0x8: {  	[smem:$0x3FAE] =	sst s0  }
0x9: {  	[smem:$0x3FAF] =	sst s1  }
0xa: {  	[smem:$0x3FB0] =	sst s2  }
0xb: {  	[smem:$0x3FB1] =	sst s3  }
0xc: {  	[smem:$0x3FB2] =	sst s4  }
0xd: {  	[smem:$0x3FB3] =	sst s5  }
0xe: {  	[smem:$0x3FB4] =	sst s6  }
0xf: {  	[smem:$0x3FB5] =	sst s7  }
0x10: {  	[smem:$0x3FB6] =	sst s8  }
0x11: {  	[smem:$0x3FB7] =	sst s9;
	s0 =	simm.s32 @!p0 $0x0  }
0x12: {  	s1 =	sld [smem:$0x3F9D];
	s0 =	simm.s32 @p0 $0x1  }
0x13: {  	[smem:$0x3FB8] =	sst s0;
	s0 =	simm.s32 @!p1 $0x0  }
0x14: {  	s2 =	sld [smem:$0x3F9C];
	s0 =	simm.s32 @p1 $0x1  }
0x15: {  	[smem:$0x3FB9] =	sst s0;
	s0 =	simm.s32 @!p2 $0x0  }
0x16: {  	s3 =	sld [smem:$0x3FDB];
	s0 =	simm.s32 @p2 $0x1  }
0x17: {  	s4 =	simm.s32 $0x1BF5;
	[smem:$0x3FBB] =	sst s0  }
0x18: {  	s0 =	sld [smem:$0x3F9E];
	_ =	swait.ge [sflag:s4], $0x0  }
0x19: {  	s7 =	sld [smem:$0x3F9F]  }
0x1a: {  	s8 =	sadd.s32 $0xFFFFE003, lr  }
0x1b: {  	s9 =	sadd.s32 $0xFFFFFEF7, lr;
	s5 =	simm.s32 $0xFFFFFFFF;
	p2 =	slt.u32 s8, $0xFFFFF086  }
0x1c: {  	p1 =	slt.u32 s9, $0xF7A;
	s5 =	simm.s32 @!p2 $0x0  }
0x1d: {  	s5 =	simm.s32 @p1 $0x1;
	p0 =	seq.s32 s7, s2  }
0x1e: {  	s7 =	smul.u32 @!p0 $0xF7A, s2;
	p2 =	seq.s32 @!p0 s5, $0x0  }
0x1f: {  	s9 =	smul.u32 $0xF7A, s1;
	s8 =	simm.s32 @!p0 $0x1BF5;
	p2 =	por !p2, p0  }
0x20: {  	[sflag:s8] =	ssyncset.s32 @!p0 $0xFFFFF086;
	s6 =	sadd.s32 @!p0 s3, s7;
	s7 =	simm.s32 @!p0 $0x108  }
0x21: {  	s3 =	sadd.s32 s3, s9;
	s6 =	sadd.s32 @!p0 $0x88, s6;
	s7 =	simm.s32 @p2 $0x1082  }
0x22: {  	[simem:s7], [sflag:s8] =	dma.local @!p0 [hbm:s6], $0xF7A  }
0x23: {  	s9 =	sor.u32 $0xD0000000, s2;
	s6 =	simm.s32 $0x108;
	_ =	swait.ge @!p0 [sflag:s8], $0x0  }
0x24: {  	s3 =	sadd.s32 $0x88, s3;
	s6 =	simm.s32 @!p1 $0x1082;
	[sflag:s4] =	ssyncset.s32 $0xFFFFF086  }
0x25: {  	[simem:s6], [sflag:s4] =	dma.local [hbm:s3], $0xF7A  }
0x26: {  	[smem:$0x3F9F] =	sst s1;
	(tag) =	ssettag s2;
	_ =	strace s9  }
0x27: {  	s1 =	sld [smem:$0x3FAF]  }
0x28: {  	s2 =	sld [smem:$0x3FB0]  }
0x29: {  	s4 =	sld [smem:$0x3FB2]  }
0x2a: {  	p0 =	seq.s32 s5, $0x0;
	s5 =	sld [smem:$0x3FB3]  }
0x2b: {  	s6 =	sld [smem:$0x3FB4]  }
0x2c: {  	s7 =	sld [smem:$0x3FB5]  }
0x2d: {  	s3 =	simm.s32 $0x108;
	s8 =	sld [smem:$0x3FB6]  }
0x2e: {  	s3 =	simm.s32 @!p0 $0x1082;
	s9 =	sld [smem:$0x3FB7]  }
0x2f: {  	lr =	sadd.s32 s0, s3;
	s0 =	sld [smem:$0x3FAE]  }
0x30: {  	s3 =	sld [smem:$0x3FB1]  }
0x31: {  	[smem:$0x3FBA] =	sst s10  }
0x32: {  	s10 =	sld [smem:$0x3FB8];
	_ =	sdelay $0x3  }
0x33: {  	p0 =	seq.s32 s10, $0x1;
	s10 =	sld [smem:$0x3FBA];
	_ =	sdelay $0x3  }
0x34: {  	[smem:$0x3FBA] =	sst s10  }
0x35: {  	s10 =	sld [smem:$0x3FB9];
	_ =	sdelay $0x3  }
0x36: {  	p1 =	seq.s32 s10, $0x1;
	s10 =	sld [smem:$0x3FBA];
	_ =	sdelay $0x3  }
0x37: {  	[smem:$0x3FBA] =	sst s10  }
0x38: {  	s10 =	sld [smem:$0x3FBB]  }
0x39: {  	_ = 	snop;
	(pc) =	sbr.ind lr, $3  }
0x3a: {  	_ = 	snop  }
0x3b: {  	_ = 	snop  }
0x3c: {  	p2 =	seq.s32 s10, $0x1;
	s10 =	sld [smem:$0x3FBA]  }
0x3d: {  	_ =	shalt  }
0x3e: {  	_ =	shalt  }
0x3f: {  	_ =	shalt  }
0x40: {  	_ =	shalt  }
0x41: {  	_ =	shalt  }
0x42: {  	_ =	shalt  }
0x43: {  	_ =	shalt  }
0x44: {  	_ =	shalt  }
0x45: {  	_ =	shalt  }
0x46: {  	_ =	shalt  }
0x47: {  	_ =	shalt  }
0x48: {  	_ =	shalt  }
0x49: {  	_ =	shalt  }
0x4a: {  	_ =	shalt  }
0x4b: {  	_ =	shalt  }
0x4c: {  	_ =	shalt  }
0x4d: {  	_ =	shalt  }
0x4e: {  	_ =	shalt  }
0x4f: {  	_ =	shalt  }
0x50: {  	_ =	shalt  }
0x51: {  	_ =	shalt  }
0x52: {  	_ =	shalt  }
0x53: {  	_ =	shalt  }
0x54: {  	_ =	shalt  }
0x55: {  	_ =	shalt  }
0x56: {  	_ =	shalt  }
0x57: {  	_ =	shalt  }
0x58: {  	_ =	shalt  }
0x59: {  	_ =	shalt  }
0x5a: {  	_ =	shalt  }
0x5b: {  	_ =	shalt  }
0x5c: {  	_ =	shalt  }
0x5d: {  	_ =	shalt  }
0x5e: {  	_ =	shalt  }
0x5f: {  	_ =	shalt  }
0x60: {  	_ =	shalt  }
0x61: {  	_ =	shalt  }
0x62: {  	_ =	shalt  }
0x63: {  	_ =	shalt  }
0x64: {  	_ =	shalt  }
0x65: {  	_ =	shalt  }
0x66: {  	_ =	shalt  }
0x67: {  	_ =	shalt  }
0x68: {  	_ =	shalt  }
0x69: {  	_ =	shalt  }
0x6a: {  	_ =	shalt  }
0x6b: {  	_ =	shalt  }
0x6c: {  	_ =	shalt  }
0x6d: {  	_ =	shalt  }
0x6e: {  	_ =	shalt  }
0x6f: {  	_ =	shalt  }
0x70: {  	_ =	shalt  }
0x71: {  	_ =	shalt  }
0x72: {  	_ =	shalt  }
0x73: {  	_ =	shalt  }
0x74: {  	_ =	shalt  }
0x75: {  	_ =	shalt  }
0x76: {  	_ =	shalt  }
0x77: {  	_ =	shalt  }
0x78: {  	_ =	shalt  }
0x79: {  	_ =	shalt  }
0x7a: {  	_ =	shalt  }
0x7b: {  	_ =	shalt  }
0x7c: {  	_ =	shalt  }
0x7d: {  	_ =	shalt  }
0x7e: {  	_ =	shalt  }
0x7f: {  	_ =	shalt  }
0x80: {  	_ =	shalt  }
0x81: {  	_ =	shalt  }
0x82: {  	_ =	shalt  }
0x83: {  	_ =	shalt  }
0x84: {  	_ =	shalt  }
0x85: {  	_ =	shalt  }
0x86: {  	_ =	shalt  }
0x87: {  	_ =	shalt  }
.Lfunc_end0:
.L_simem_size_0:
called_computation_lowered:
.L_overlay_start_0:
0x88: {  	s2 =	sld [smem:$0x3FD9]  }
0x89: {  	s3 =	sld [smem:$0x3FFE];
	_ =	sdelay $0x1  }
0x8a: {  	s1 =	srdreg.scid  }
0x8b: {  	s0 =	sand.u32 $0x1, s1  }
0x8c: {  	s17 =	sshll.u32 s0, $0xA;
	s2 =	sadd.s32 s3, s2  }
0x8d: {  	s2 =	sadd.s32 s2, s17  }
0x8e: {  	[smem:$0x3FC6] =	sst s2  }
0x8f: {  	_ = 	snop  }
0x90: {  	s2 =	sld [smem:$0x3FD0];
	(tm) =	ssettm $0x1  }
0x91: {  	s18 =	sld [smem:$0x3FFB];
	_ =	sdelay $0x3  }
0x92: {  	_ =	strace s18  }
0x93: {  	s3 =	sld [smem:$0x3FFC];
	_ =	sdelay $0x3  }
0x94: {  	_ =	strace s3  }
0x95: {  	s3 =	sld [smem:$0x3FFD];
	_ =	sdelay $0x3  }
0x96: {  	_ =	strace s3  }
0x97: {  	_ =	strace $0x8FFFFFFF  }
0x98: {  	s19 =	sld [smem:$0x3FDB];
	_ =	sdelay $0x1  }
0x99: {  	s4 =	simm.s32 $_scs_section_size  }
0x9a: {  	s5 =	simm.s32 $_size__tile_overlayer_lowered;
	s6 =	simm.s32 $_tile_overlayer_lowered  }
0x9b: {  	s22 =	simm.s32 $0x1BFF;
	s21 =	sshll.u32 s6, $0x1;
	s3 =	sadd.s32 s4, s19  }
0x9c: {  	s7 =	simm.s32 $0x0;
	s20 =	sshll.u32 s5, $0x1;
	s5 =	sadd.s32 s21, s3  }
0x9d: {  	[timem:s7], [sflag:s22] =	dma.local [hbm:s5], s20  }
0x9e: {  	_ =	swait.ge [sflag:s22], s20  }
0x9f: {  	s4 =	ssub.s32 $0x0, s20;
	[sflag:s22] =	ssyncset.done $0x0  }
0xa0: {  	[sflag:s22] =	ssyncadd.s32 s4;
	_ =	sdelay $0x1  }
0xa1: {  	s23 =	simm.s32 $0x1B8B  }
0xa2: {  	_ =	swait.ge [sflag:s23], $0x1  }
0xa3: {  	[sflag:s23] =	ssyncset.done $0x0  }
0xa4: {  	s25 =	simm.s32 $0x1B8E;
	s24 =	sld [smem:$0x3FFE];
	[sflag:s23] =	ssyncadd.s32 $0xFFFFFFFF  }
0xa5: {  	s26 =	simm.s32 $execute0_lowered;
	[smem:$0x3FD2] =	sst s25  }
0xa6: {  	s5 =	sshll.u32 s26, $0x1;
	_ =	strace $0x80000046;
	[dreg:$0x1] =	wrdreg $0xFFFFFFFF  }
0xa7: {  	s28 =	simm.s32 $_size_execute0_lowered;
	s3 =	sadd.s32 s3, s5;
	[dreg:$0x0] =	wrdreg $0x0  }
0xa8: {  	s5 =	sshll.u32 s28, $0x1;
	[dreg:$0x2] =	wrdreg s3  }
0xa9: {  	[dreg:$0x3] =	wrdreg s5  }
0xaa: {  	[dreg:$0x4] =	wrdreg $0xC0  }
0xab: {  	_ =	task [dreg:s7], $0x5FFFF  }
0xac: {  	[dreg:$0x1] =	wrdreg $0xFFFFFFFF  }
0xad: {  	[dreg:$0x0] =	wrdreg $0x60  }
0xae: {  	[dreg:$0x2] =	wrdreg s24  }
0xaf: {  	[dreg:$0x3] =	wrdreg s2  }
0xb0: {  	[dreg:$0x4] =	wrdreg $0x9  }
0xb1: {  	_ =	task.clear_ibuf [dreg:s7], $0x5FFFF;
	_ =	strace $0x90000046  }
0xb2: {  	s29 =	simm.s32 $0x9;
	_ =	strace $0x80000048  }
0xb3: {  	_ =	swait.ge [sflag:s29], $0x1  }
0xb4: {  	[sflag:s29] =	ssyncadd.s32 $0xFFFFFFFF  }
0xb5: {  	_ =	strace $0x90000048  }
0xb6: {  	_ =	sfence  }
0xb7: {  	s30 =	sld [smem:$0x0];
	_ =	sdelay $0x2  }
0xb8: {  	s31 =	sshll.u32 s1, $0xD;
	s1 =	sshrl.u32 s1, $0x2  }
0xb9: {  	s3 =	sand.u32 $0x4000, s31;
	s1 =	sadd.s32 s1, s30  }
0xba: {  	s0 =	sor.u32 s3, s0;
	s1 =	sshll.u32 s1, $0x11  }
0xbb: {  	s0 =	sor.u32 s1, s0  }
0xbc: {  	s0 =	sadd.s32 $0x8F2B, s0  }
0xbd: {  	[sflag:s0] =	ssyncadd.remote.s32 $0x1  }
0xbe: {  	_ =	sfence.sel $0xFFFF  }
0xbf: {  	[dreg:$0x0] =	wrdreg $0xFFFFFFFF;
	(pc) =	sbr.abs _section_cstart, $3  }
0xc0: {  	[dreg:$0x1] =	wrdreg $0xFFFFFFFF  }
0xc1: {  	_ =	task.clear_ibuf [dreg:s7], $0x2FFFF;
	_ =	strace $0x9FFFFFFF  }
0xc2: {  	(tm) =	ssettm $0x7FFFFFFF  }
0xc3: {  	_ =	shalt  }
tec
execute0_lowered:
.L_overlay_start_1:
0x0: {  	(tag) =	ssettag $0x1  }
0x1: {  	s2 =	stileid.u32;
	s4 =	rddreg [dreg:$0x0]  }
0x2: {  	s3 =	rddreg [dreg:$0x1];
	s20 =	sshll.u32 s2, $0x1;
	s2 =	simm.s32 $0x0  }
0x3: {  	s21 =	simm.s32 $0x1D00;
	[smem:$0x7FF] =	sst s2  }
0x4: {  	s22 =	simm.s32 $0x100;
	_ =	strace $0x80000047;
	[dreg:$0x5] =	wrdreg s21  }
0x5: {  	s23 =	simm.s32 $0x2D00;
	[dreg:$0x6] =	wrdreg s22  }
0x6: {  	s24 =	simm.s32 $0x180;
	[dreg:$0x7] =	wrdreg s23  }
0x7: {  	s25 =	simm.s32 $0x3D00;
	[dreg:$0x8] =	wrdreg s24  }
0x8: {  	s26 =	simm.s32 $0x200;
	[dreg:$0x9] =	wrdreg s25  }
0x9: {  	s6 =	simm.s32 $0x5D00;
	[dreg:$0xa] =	wrdreg s26  }
0xa: {  	s7 =	simm.s32 $0x300;
	[dreg:$0xd] =	wrdreg s6  }
0xb: {  	s8 =	simm.s32 $0x6D00;
	[dreg:$0xe] =	wrdreg s7  }
0xc: {  	s9 =	simm.s32 $0x380;
	[dreg:$0xf] =	wrdreg s8  }
0xd: {  	s10 =	simm.s32 $0x7D00;
	[dreg:$0x10] =	wrdreg s9  }
0xe: {  	s11 =	simm.s32 $0x400;
	[dreg:$0x11] =	wrdreg s10  }
0xf: {  	s12 =	simm.s32 $0x8D00;
	[dreg:$0x12] =	wrdreg s11  }
0x10: {  	s13 =	simm.s32 $0x480;
	[dreg:$0x13] =	wrdreg s12  }
0x11: {  	s14 =	simm.s32 $0x9D00;
	[dreg:$0x14] =	wrdreg s13  }
0x12: {  	s15 =	simm.s32 $0x500;
	[dreg:$0x15] =	wrdreg s14  }
0x13: {  	s16 =	simm.s32 $0xAD00;
	[dreg:$0x16] =	wrdreg s15  }
0x14: {  	s17 =	simm.s32 $0x580;
	[dreg:$0x17] =	wrdreg s16  }
0x15: {  	s0 =	srdreg.scid;
	s18 =	simm.s32 $0xBD00;
	[dreg:$0x18] =	wrdreg s17  }
0x16: {  	s19 =	simm.s32 $0x600;
	s1 =	sand.u32 $0x1, s0;
	[dreg:$0x19] =	wrdreg s18  }
0x17: {  	s0 =	sor.u32 s1, s20;
	s20 =	simm.s32 $0xCD00;
	[dreg:$0x1a] =	wrdreg s19  }
0x18: {  	s5 =	smul.u32 $0x1A0, s0;
	[dreg:$0x1b] =	wrdreg s20;
	s21 =	simm.s32 $0x680  }
0x19: {  	s0 =	smul.u32 $0x3400, s0;
	s22 =	simm.s32 $0xDD00;
	[dreg:$0x1c] =	wrdreg s21  }
0x1a: {  	s23 =	simm.s32 $0x700;
	[dreg:$0x1d] =	wrdreg s22  }
0x1b: {  	[dreg:$0x1e] =	wrdreg s23;
	s0 =	sadd.s32 s3, s0  }
0x1c: {  	s5 =	sadd.s32 s5, s4;
	s3 =	simm.s32 $0x4D00;
	[dreg:$0x4] =	wrdreg s0  }
0x1d: {  	s5 =	sadd.s32 $0x600, s5;
	[dreg:$0xb] =	wrdreg s3  }
0x1e: {  	[dreg:$0x3] =	wrdreg s5;
	s5 =	simm.s32 $0x280  }
0x1f: {  	[dreg:$0xc] =	wrdreg s5  }
0x20: {  	s3 =	simm.s32 $0x2;
	s5 =	rddreg [dreg:$0x3]  }
0x21: {  	[tilespmem:s2], [sflag:$0x2] =	stream.linear.gather [hbm4b:s5+s2], $0xD00, $0x38;
	[tilespmem:$0x1AD00] =	vst v63  }
0x22: {  	_ =	swait.ge [sflag:s3], $0xD00  }
0x23: {  	s0 =	rddreg [dreg:$0x1d]  }
0x24: {  	s7 =	rddreg [dreg:$0x1b]  }
0x25: {  	s8 =	rddreg [dreg:$0x19]  }
0x26: {  	s9 =	rddreg [dreg:$0x17]  }
0x27: {  	s10 =	rddreg [dreg:$0x15]  }
0x28: {  	s11 =	rddreg [dreg:$0x13]  }
0x29: {  	s12 =	rddreg [dreg:$0x11]  }
0x2a: {  	s13 =	rddreg [dreg:$0xf]  }
0x2b: {  	s14 =	rddreg [dreg:$0xd]  }
0x2c: {  	s6 =	simm.s32 $0x80;
	s15 =	rddreg [dreg:$0xb]  }
0x2d: {  	s5 =	sadd.s32 $0xF42A00, s4;
	s16 =	rddreg [dreg:$0x6];
	[sflag:s3] =	ssyncset.done $0x0  }
0x2e: {  	s4 =	simm.s32 $0xD00;
	s17 =	rddreg [dreg:$0x5];
	[sflag:s3] =	ssyncadd.s32 $0xFFFFF300  }
0x2f: {  	[tilespmem:s4], [sflag:$0x1] =	stream.indirect.gather [hbm4b:s5+s6], $0x20, s2, s6, $0xb8;
	[tilespmem:$0x1AD00] =	vst v63  }
0x30: {  	s18 =	rddreg [dreg:$0x7]  }
0x31: {  	[tilespmem:s17], [sflag:$0x1] =	stream.indirect.gather [hbm4b:s5+s6], $0x20, s6, s6, $0xb8;
	[tilespmem:$0x1AD00] =	vst v63  }
0x32: {  	s19 =	rddreg [dreg:$0x9]  }
0x33: {  	[tilespmem:s18], [sflag:$0x1] =	stream.indirect.gather [hbm4b:s5+s6], $0x20, s16, s6, $0xb8;
	[tilespmem:$0x1AD00] =	vst v63  }
0x34: {  	s24 =	rddreg [dreg:$0x8]  }
0x35: {  	[tilespmem:s19], [sflag:$0x1] =	stream.indirect.gather [hbm4b:s5+s6], $0x20, s24, s6, $0xb8;
	[tilespmem:$0x1AD00] =	vst v63  }
0x36: {  	s25 =	rddreg [dreg:$0xa]  }
0x37: {  	[tilespmem:s15], [sflag:$0x1] =	stream.indirect.gather [hbm4b:s5+s6], $0x20, s25, s6, $0xb8;
	[tilespmem:$0x1AD00] =	vst v63  }
0x38: {  	s26 =	rddreg [dreg:$0xc]  }
0x39: {  	[tilespmem:s14], [sflag:$0x1] =	stream.indirect.gather [hbm4b:s5+s6], $0x20, s26, s6, $0xb8;
	[tilespmem:$0x1AD00] =	vst v63  }
0x3a: {  	s16 =	rddreg [dreg:$0xe]  }
0x3b: {  	[tilespmem:s13], [sflag:$0x1] =	stream.indirect.gather [hbm4b:s5+s6], $0x20, s16, s6, $0xb8;
	[tilespmem:$0x1AD00] =	vst v63  }
0x3c: {  	s18 =	rddreg [dreg:$0x10]  }
0x3d: {  	[tilespmem:s12], [sflag:$0x1] =	stream.indirect.gather [hbm4b:s5+s6], $0x20, s18, s6, $0xb8;
	[tilespmem:$0x1AD00] =	vst v63  }
0x3e: {  	s19 =	rddreg [dreg:$0x12]  }
0x3f: {  	[tilespmem:s11], [sflag:$0x1] =	stream.indirect.gather [hbm4b:s5+s6], $0x20, s19, s6, $0xb8;
	[tilespmem:$0x1AD00] =	vst v63  }
0x40: {  	s20 =	rddreg [dreg:$0x14]  }
0x41: {  	[tilespmem:s10], [sflag:$0x1] =	stream.indirect.gather [hbm4b:s5+s6], $0x20, s20, s6, $0xb8;
	[tilespmem:$0x1AD00] =	vst v63  }
0x42: {  	s21 =	rddreg [dreg:$0x16]  }
0x43: {  	[tilespmem:s9], [sflag:$0x1] =	stream.indirect.gather [hbm4b:s5+s6], $0x20, s21, s6, $0xb8;
	[tilespmem:$0x1AD00] =	vst v63  }
0x44: {  	s22 =	rddreg [dreg:$0x18]  }
0x45: {  	[tilespmem:s8], [sflag:$0x1] =	stream.indirect.gather [hbm4b:s5+s6], $0x20, s22, s6, $0xb8;
	[tilespmem:$0x1AD00] =	vst v63  }
0x46: {  	s23 =	rddreg [dreg:$0x1a]  }
0x47: {  	[tilespmem:s7], [sflag:$0x1] =	stream.indirect.gather [hbm4b:s5+s6], $0x20, s23, s6, $0xb8;
	[tilespmem:$0x1AD00] =	vst v63  }
0x48: {  	s24 =	rddreg [dreg:$0x1c]  }
0x49: {  	[tilespmem:s0], [sflag:$0x1] =	stream.indirect.gather [hbm4b:s5+s6], $0x20, s24, s6, $0xb8;
	[tilespmem:$0x1AD00] =	vst v63  }
0x4a: {  	s25 =	rddreg [dreg:$0x1e];
	s26 =	simm.s32 $0xED00  }
0x4b: {  	[tilespmem:s26], [sflag:$0x1] =	stream.indirect.gather [hbm4b:s5+s6], $0x20, s25, s6, $0xb8;
	[tilespmem:$0x1AD00] =	vst v63  }
0x4c: {  	s8 =	simm.s32 $0xFD00;
	s7 =	simm.s32 $0x780  }
0x4d: {  	[tilespmem:s8], [sflag:$0x1] =	stream.indirect.gather [hbm4b:s5+s6], $0x20, s7, s6, $0xb8;
	[tilespmem:$0x1AD00] =	vst v63  }
0x4e: {  	s10 =	simm.s32 $0x10D00;
	s9 =	simm.s32 $0x800  }
0x4f: {  	[tilespmem:s10], [sflag:$0x1] =	stream.indirect.gather [hbm4b:s5+s6], $0x20, s9, s6, $0xb8;
	[tilespmem:$0x1AD00] =	vst v63  }
0x50: {  	s12 =	simm.s32 $0x11D00;
	s11 =	simm.s32 $0x880  }
0x51: {  	[tilespmem:s12], [sflag:$0x1] =	stream.indirect.gather [hbm4b:s5+s6], $0x20, s11, s6, $0xb8;
	[tilespmem:$0x1AD00] =	vst v63  }
0x52: {  	s14 =	simm.s32 $0x12D00;
	s13 =	simm.s32 $0x900  }
0x53: {  	[tilespmem:s14], [sflag:$0x1] =	stream.indirect.gather [hbm4b:s5+s6], $0x20, s13, s6, $0xb8;
	[tilespmem:$0x1AD00] =	vst v63  }
0x54: {  	s15 =	simm.s32 $0x980;
	s16 =	simm.s32 $0x13D00  }
0x55: {  	[tilespmem:s16], [sflag:$0x1] =	stream.indirect.gather [hbm4b:s5+s6], $0x20, s15, s6, $0xb8;
	[tilespmem:$0x1AD00] =	vst v63  }
0x56: {  	s17 =	simm.s32 $0xA00;
	s18 =	simm.s32 $0x14D00  }
0x57: {  	[tilespmem:s18], [sflag:$0x1] =	stream.indirect.gather [hbm4b:s5+s6], $0x20, s17, s6, $0xb8;
	[tilespmem:$0x1AD00] =	vst v63  }
0x58: {  	s20 =	simm.s32 $0xA80;
	s21 =	simm.s32 $0x15D00  }
0x59: {  	[tilespmem:s21], [sflag:$0x1] =	stream.indirect.gather [hbm4b:s5+s6], $0x20, s20, s6, $0xb8;
	[tilespmem:$0x1AD00] =	vst v63  }
0x5a: {  	s22 =	simm.s32 $0xB00;
	s23 =	simm.s32 $0x16D00  }
0x5b: {  	[tilespmem:s23], [sflag:$0x1] =	stream.indirect.gather [hbm4b:s5+s6], $0x20, s22, s6, $0xb8;
	[tilespmem:$0x1AD00] =	vst v63  }
0x5c: {  	s25 =	simm.s32 $0xB80;
	s26 =	simm.s32 $0x17D00  }
0x5d: {  	[tilespmem:s26], [sflag:$0x1] =	stream.indirect.gather [hbm4b:s5+s6], $0x20, s25, s6, $0xb8;
	[tilespmem:$0x1AD00] =	vst v63  }
0x5e: {  	s28 =	simm.s32 $0xC00;
	s29 =	simm.s32 $0x18D00  }
0x5f: {  	[tilespmem:s29], [sflag:$0x1] =	stream.indirect.gather [hbm4b:s5+s6], $0x20, s28, s6, $0xb8;
	[tilespmem:$0x1AD00] =	vst v63  }
0x60: {  	s30 =	simm.s32 $0xC80;
	s31 =	simm.s32 $0x19D00;
	s24 =	simm.s32 $0x1  }
0x61: {  	[tilespmem:s31], [sflag:$0x1] =	stream.indirect.gather [hbm4b:s5+s6], $0x20, s30, s6, $0xb8;
	[tilespmem:$0x1AD00] =	vst v63  }
0x62: {  	_ =	swait.ge [sflag:s24], $0x1000  }
0x63: {  	[sflag:s24] =	ssyncset.done $0x0  }
0x64: {  	[sflag:s24] =	ssyncadd.s32 $0xFFFFF000  }
0x65: {  	_ =	swait.ge [sflag:s24], $0x1000  }
0x66: {  	[sflag:s24] =	ssyncset.done $0x0  }
0x67: {  	[sflag:s24] =	ssyncadd.s32 $0xFFFFF000  }
0x68: {  	_ =	swait.ge [sflag:s24], $0x1000  }
0x69: {  	[sflag:s24] =	ssyncset.done $0x0  }
0x6a: {  	[sflag:s24] =	ssyncadd.s32 $0xFFFFF000  }
0x6b: {  	_ =	swait.ge [sflag:s24], $0x1000  }
0x6c: {  	[sflag:s24] =	ssyncset.done $0x0  }
0x6d: {  	[sflag:s24] =	ssyncadd.s32 $0xFFFFF000  }
0x6e: {  	_ =	swait.ge [sflag:s24], $0x1000  }
0x6f: {  	[sflag:s24] =	ssyncset.done $0x0  }
0x70: {  	[sflag:s24] =	ssyncadd.s32 $0xFFFFF000  }
0x71: {  	_ =	swait.ge [sflag:s24], $0x1000  }
0x72: {  	[sflag:s24] =	ssyncset.done $0x0  }
0x73: {  	[sflag:s24] =	ssyncadd.s32 $0xFFFFF000  }
0x74: {  	_ =	swait.ge [sflag:s24], $0x1000  }
0x75: {  	[sflag:s24] =	ssyncset.done $0x0  }
0x76: {  	[sflag:s24] =	ssyncadd.s32 $0xFFFFF000  }
0x77: {  	_ =	swait.ge [sflag:s24], $0x1000  }
0x78: {  	[sflag:s24] =	ssyncset.done $0x0  }
0x79: {  	[sflag:s24] =	ssyncadd.s32 $0xFFFFF000  }
0x7a: {  	_ =	swait.ge [sflag:s24], $0x1000  }
0x7b: {  	[sflag:s24] =	ssyncset.done $0x0  }
0x7c: {  	[sflag:s24] =	ssyncadd.s32 $0xFFFFF000  }
0x7d: {  	_ =	swait.ge [sflag:s24], $0x1000  }
0x7e: {  	[sflag:s24] =	ssyncset.done $0x0  }
0x7f: {  	[sflag:s24] =	ssyncadd.s32 $0xFFFFF000  }
0x80: {  	_ =	swait.ge [sflag:s24], $0x1000  }
0x81: {  	[sflag:s24] =	ssyncset.done $0x0  }
0x82: {  	[sflag:s24] =	ssyncadd.s32 $0xFFFFF000  }
0x83: {  	_ =	swait.ge [sflag:s24], $0x1000  }
0x84: {  	[sflag:s24] =	ssyncset.done $0x0  }
0x85: {  	[sflag:s24] =	ssyncadd.s32 $0xFFFFF000  }
0x86: {  	_ =	swait.ge [sflag:s24], $0x1000  }
0x87: {  	[sflag:s24] =	ssyncset.done $0x0  }
0x88: {  	[sflag:s24] =	ssyncadd.s32 $0xFFFFF000  }
0x89: {  	_ =	swait.ge [sflag:s24], $0x1000  }
0x8a: {  	[sflag:s24] =	ssyncset.done $0x0  }
0x8b: {  	[sflag:s24] =	ssyncadd.s32 $0xFFFFF000  }
0x8c: {  	_ =	swait.ge [sflag:s24], $0x1000  }
0x8d: {  	[sflag:s24] =	ssyncset.done $0x0  }
0x8e: {  	[sflag:s24] =	ssyncadd.s32 $0xFFFFF000  }
0x8f: {  	_ =	swait.ge [sflag:s24], $0x1000  }
0x90: {  	[sflag:s24] =	ssyncset.done $0x0  }
0x91: {  	[sflag:s24] =	ssyncadd.s32 $0xFFFFF000  }
0x92: {  	_ =	swait.ge [sflag:s24], $0x1000  }
0x93: {  	[sflag:s24] =	ssyncset.done $0x0  }
0x94: {  	[sflag:s24] =	ssyncadd.s32 $0xFFFFF000  }
0x95: {  	_ =	swait.ge [sflag:s24], $0x1000  }
0x96: {  	[sflag:s24] =	ssyncset.done $0x0  }
0x97: {  	[sflag:s24] =	ssyncadd.s32 $0xFFFFF000  }
0x98: {  	_ =	swait.ge [sflag:s24], $0x1000  }
0x99: {  	[sflag:s24] =	ssyncset.done $0x0  }
0x9a: {  	[sflag:s24] =	ssyncadd.s32 $0xFFFFF000  }
0x9b: {  	_ =	swait.ge [sflag:s24], $0x1000  }
0x9c: {  	[sflag:s24] =	ssyncset.done $0x0  }
0x9d: {  	[sflag:s24] =	ssyncadd.s32 $0xFFFFF000  }
0x9e: {  	s19 =	ssub.s32 $0x2, s1;
	_ =	swait.ge [sflag:s24], $0x1000  }
0x9f: {  	s1 =	sshrl.u32 s19, $0x1;
	[sflag:s24] =	ssyncset.done $0x0  }
0xa0: {  	s0 =	ssub.s32 s19, s1;
	[sflag:s24] =	ssyncadd.s32 $0xFFFFF000  }
0xa1: {  	s0 =	smax.u32 s0, $0x1;
	_ =	swait.ge [sflag:s24], $0x1000  }
0xa2: {  	p0 =	sne.s32 s0, $0x1;
	[sflag:s24] =	ssyncset.done $0x0  }
.Ltmp0:
0xa3: {  	[sflag:s24] =	ssyncadd.s32 $0xFFFFF000;
	(pc) =	sbr.rel @!p0 .LBB2_2-.Ltmp0, $4  }
0xa4: {  	_ =	swait.ge [sflag:s24], $0x1000  }
0xa5: {  	[sflag:s24] =	ssyncset.done $0x0  }
0xa6: {  	[sflag:s24] =	ssyncadd.s32 $0xFFFFF000  }
0xa7: {  	s1 =	sadd.s32 $0xFFFFFFFF, s0;
	_ =	swait.ge [sflag:s24], $0x1000  }
.LBB2_1:
0xa8: {  	[sflag:s24] =	ssyncset.done $0x0  }
0xa9: {  	[sflag:s24] =	ssyncadd.s32 $0xFFFFF000  }
0xaa: {  	_ =	swait.ge [sflag:s24], $0x1000  }
0xab: {  	[sflag:s24] =	ssyncset.done $0x0  }
0xac: {  	[sflag:s24] =	ssyncadd.s32 $0xFFFFF000  }
0xad: {  	_ =	swait.ge [sflag:s24], $0x1000  }
0xae: {  	[sflag:s24] =	ssyncset.done $0x0  }
0xaf: {  	s0 =	rddreg [dreg:$0x4];
	[sflag:s24] =	ssyncadd.s32 $0xFFFFF000  }
0xb0: {  	[hbm4b:s0+s2] =	stream.linear.scatter [tilespmem:s4], [sflag:$0x2], $0x1A000, $0x38;
	[tilespmem:$0x1AD00] =	vst v63  }
0xb1: {  	_ =	swait.ge [sflag:s3], $0x1A000  }
0xb2: {  	[sflag:s3] =	ssyncset.done $0x0  }
0xb3: {  	s17 =	rddreg [dreg:$0x3];
	[sflag:s3] =	ssyncadd.s32 $0xFFFE6000  }
0xb4: {  	[tilespmem:s2], [sflag:$0x2] =	stream.linear.gather [hbm4b:s17+s2], $0xD00, $0x38;
	[tilespmem:$0x1AD00] =	vst v63  }
0xb5: {  	_ =	swait.ge [sflag:s3], $0xD00  }
0xb6: {  	s0 =	rddreg [dreg:$0x1d]  }
0xb7: {  	s7 =	rddreg [dreg:$0x1b]  }
0xb8: {  	s8 =	rddreg [dreg:$0x19]  }
0xb9: {  	s9 =	rddreg [dreg:$0x17]  }
0xba: {  	s10 =	rddreg [dreg:$0x15]  }
0xbb: {  	s11 =	rddreg [dreg:$0x13]  }
0xbc: {  	s12 =	rddreg [dreg:$0x11]  }
0xbd: {  	s13 =	rddreg [dreg:$0xf]  }
0xbe: {  	s14 =	rddreg [dreg:$0xd]  }
0xbf: {  	s15 =	rddreg [dreg:$0xb]  }
0xc0: {  	s16 =	rddreg [dreg:$0x6];
	[sflag:s3] =	ssyncset.done $0x0  }
0xc1: {  	s17 =	rddreg [dreg:$0x5];
	[sflag:s3] =	ssyncadd.s32 $0xFFFFF300  }
0xc2: {  	[tilespmem:s4], [sflag:$0x1] =	stream.indirect.gather [hbm4b:s5+s6], $0x20, s2, s6, $0xb8;
	[tilespmem:$0x1AD00] =	vst v63  }
0xc3: {  	s18 =	rddreg [dreg:$0x7]  }
0xc4: {  	[tilespmem:s17], [sflag:$0x1] =	stream.indirect.gather [hbm4b:s5+s6], $0x20, s6, s6, $0xb8;
	[tilespmem:$0x1AD00] =	vst v63  }
0xc5: {  	s19 =	rddreg [dreg:$0x9]  }
0xc6: {  	[tilespmem:s18], [sflag:$0x1] =	stream.indirect.gather [hbm4b:s5+s6], $0x20, s16, s6, $0xb8;
	[tilespmem:$0x1AD00] =	vst v63  }
0xc7: {  	s17 =	rddreg [dreg:$0x8]  }
0xc8: {  	[tilespmem:s19], [sflag:$0x1] =	stream.indirect.gather [hbm4b:s5+s6], $0x20, s17, s6, $0xb8;
	[tilespmem:$0x1AD00] =	vst v63  }
0xc9: {  	s18 =	rddreg [dreg:$0xa]  }
0xca: {  	[tilespmem:s15], [sflag:$0x1] =	stream.indirect.gather [hbm4b:s5+s6], $0x20, s18, s6, $0xb8;
	[tilespmem:$0x1AD00] =	vst v63  }
0xcb: {  	s19 =	rddreg [dreg:$0xc]  }
0xcc: {  	[tilespmem:s14], [sflag:$0x1] =	stream.indirect.gather [hbm4b:s5+s6], $0x20, s19, s6, $0xb8;
	[tilespmem:$0x1AD00] =	vst v63  }
0xcd: {  	s16 =	rddreg [dreg:$0xe]  }
0xce: {  	[tilespmem:s13], [sflag:$0x1] =	stream.indirect.gather [hbm4b:s5+s6], $0x20, s16, s6, $0xb8;
	[tilespmem:$0x1AD00] =	vst v63  }
0xcf: {  	s17 =	rddreg [dreg:$0x10]  }
0xd0: {  	[tilespmem:s12], [sflag:$0x1] =	stream.indirect.gather [hbm4b:s5+s6], $0x20, s17, s6, $0xb8;
	[tilespmem:$0x1AD00] =	vst v63  }
0xd1: {  	s18 =	rddreg [dreg:$0x12]  }
0xd2: {  	[tilespmem:s11], [sflag:$0x1] =	stream.indirect.gather [hbm4b:s5+s6], $0x20, s18, s6, $0xb8;
	[tilespmem:$0x1AD00] =	vst v63  }
0xd3: {  	s19 =	rddreg [dreg:$0x14]  }
0xd4: {  	[tilespmem:s10], [sflag:$0x1] =	stream.indirect.gather [hbm4b:s5+s6], $0x20, s19, s6, $0xb8;
	[tilespmem:$0x1AD00] =	vst v63  }
0xd5: {  	s14 =	rddreg [dreg:$0x16]  }
0xd6: {  	[tilespmem:s9], [sflag:$0x1] =	stream.indirect.gather [hbm4b:s5+s6], $0x20, s14, s6, $0xb8;
	[tilespmem:$0x1AD00] =	vst v63  }
0xd7: {  	s15 =	rddreg [dreg:$0x18]  }
0xd8: {  	[tilespmem:s8], [sflag:$0x1] =	stream.indirect.gather [hbm4b:s5+s6], $0x20, s15, s6, $0xb8;
	[tilespmem:$0x1AD00] =	vst v63  }
0xd9: {  	s16 =	rddreg [dreg:$0x1a]  }
0xda: {  	[tilespmem:s7], [sflag:$0x1] =	stream.indirect.gather [hbm4b:s5+s6], $0x20, s16, s6, $0xb8;
	[tilespmem:$0x1AD00] =	vst v63  }
0xdb: {  	s17 =	rddreg [dreg:$0x1c]  }
0xdc: {  	[tilespmem:s0], [sflag:$0x1] =	stream.indirect.gather [hbm4b:s5+s6], $0x20, s17, s6, $0xb8;
	[tilespmem:$0x1AD00] =	vst v63  }
0xdd: {  	s18 =	rddreg [dreg:$0x1e];
	s19 =	simm.s32 $0xED00  }
0xde: {  	[tilespmem:s19], [sflag:$0x1] =	stream.indirect.gather [hbm4b:s5+s6], $0x20, s18, s6, $0xb8;
	[tilespmem:$0x1AD00] =	vst v63  }
0xdf: {  	s9 =	simm.s32 $0xFD00;
	s8 =	simm.s32 $0x780  }
0xe0: {  	[tilespmem:s9], [sflag:$0x1] =	stream.indirect.gather [hbm4b:s5+s6], $0x20, s8, s6, $0xb8;
	[tilespmem:$0x1AD00] =	vst v63  }
0xe1: {  	s11 =	simm.s32 $0x10D00;
	s10 =	simm.s32 $0x800  }
0xe2: {  	[tilespmem:s11], [sflag:$0x1] =	stream.indirect.gather [hbm4b:s5+s6], $0x20, s10, s6, $0xb8;
	[tilespmem:$0x1AD00] =	vst v63  }
0xe3: {  	s13 =	simm.s32 $0x11D00;
	s12 =	simm.s32 $0x880  }
0xe4: {  	[tilespmem:s13], [sflag:$0x1] =	stream.indirect.gather [hbm4b:s5+s6], $0x20, s12, s6, $0xb8;
	[tilespmem:$0x1AD00] =	vst v63  }
0xe5: {  	s14 =	simm.s32 $0x900;
	s15 =	simm.s32 $0x12D00  }
0xe6: {  	[tilespmem:s15], [sflag:$0x1] =	stream.indirect.gather [hbm4b:s5+s6], $0x20, s14, s6, $0xb8;
	[tilespmem:$0x1AD00] =	vst v63  }
0xe7: {  	s16 =	simm.s32 $0x980;
	s17 =	simm.s32 $0x13D00  }
0xe8: {  	[tilespmem:s17], [sflag:$0x1] =	stream.indirect.gather [hbm4b:s5+s6], $0x20, s16, s6, $0xb8;
	[tilespmem:$0x1AD00] =	vst v63  }
0xe9: {  	s18 =	simm.s32 $0xA00;
	s19 =	simm.s32 $0x14D00  }
0xea: {  	[tilespmem:s19], [sflag:$0x1] =	stream.indirect.gather [hbm4b:s5+s6], $0x20, s18, s6, $0xb8;
	[tilespmem:$0x1AD00] =	vst v63  }
0xeb: {  	_ = 	snop  }
0xec: {  	[tilespmem:s21], [sflag:$0x1] =	stream.indirect.gather [hbm4b:s5+s6], $0x20, s20, s6, $0xb8;
	[tilespmem:$0x1AD00] =	vst v63  }
0xed: {  	_ = 	snop  }
0xee: {  	[tilespmem:s23], [sflag:$0x1] =	stream.indirect.gather [hbm4b:s5+s6], $0x20, s22, s6, $0xb8;
	[tilespmem:$0x1AD00] =	vst v63  }
0xef: {  	_ = 	snop  }
0xf0: {  	[tilespmem:s26], [sflag:$0x1] =	stream.indirect.gather [hbm4b:s5+s6], $0x20, s25, s6, $0xb8;
	[tilespmem:$0x1AD00] =	vst v63  }
0xf1: {  	_ = 	snop  }
0xf2: {  	[tilespmem:s29], [sflag:$0x1] =	stream.indirect.gather [hbm4b:s5+s6], $0x20, s28, s6, $0xb8;
	[tilespmem:$0x1AD00] =	vst v63  }
0xf3: {  	_ = 	snop  }
0xf4: {  	[tilespmem:s31], [sflag:$0x1] =	stream.indirect.gather [hbm4b:s5+s6], $0x20, s30, s6, $0xb8;
	[tilespmem:$0x1AD00] =	vst v63  }
0xf5: {  	_ =	swait.ge [sflag:s24], $0x1000  }
0xf6: {  	[sflag:s24] =	ssyncset.done $0x0  }
0xf7: {  	[sflag:s24] =	ssyncadd.s32 $0xFFFFF000  }
0xf8: {  	_ =	swait.ge [sflag:s24], $0x1000  }
0xf9: {  	[sflag:s24] =	ssyncset.done $0x0  }
0xfa: {  	[sflag:s24] =	ssyncadd.s32 $0xFFFFF000  }
0xfb: {  	_ =	swait.ge [sflag:s24], $0x1000  }
0xfc: {  	[sflag:s24] =	ssyncset.done $0x0  }
0xfd: {  	[sflag:s24] =	ssyncadd.s32 $0xFFFFF000  }
0xfe: {  	_ =	swait.ge [sflag:s24], $0x1000  }
0xff: {  	[sflag:s24] =	ssyncset.done $0x0  }
0x100: {  	[sflag:s24] =	ssyncadd.s32 $0xFFFFF000  }
0x101: {  	_ =	swait.ge [sflag:s24], $0x1000  }
0x102: {  	[sflag:s24] =	ssyncset.done $0x0  }
0x103: {  	[sflag:s24] =	ssyncadd.s32 $0xFFFFF000  }
0x104: {  	_ =	swait.ge [sflag:s24], $0x1000  }
0x105: {  	[sflag:s24] =	ssyncset.done $0x0  }
0x106: {  	[sflag:s24] =	ssyncadd.s32 $0xFFFFF000  }
0x107: {  	_ =	swait.ge [sflag:s24], $0x1000  }
0x108: {  	[sflag:s24] =	ssyncset.done $0x0  }
0x109: {  	[sflag:s24] =	ssyncadd.s32 $0xFFFFF000  }
0x10a: {  	_ =	swait.ge [sflag:s24], $0x1000  }
0x10b: {  	[sflag:s24] =	ssyncset.done $0x0  }
0x10c: {  	[sflag:s24] =	ssyncadd.s32 $0xFFFFF000  }
0x10d: {  	_ =	swait.ge [sflag:s24], $0x1000  }
0x10e: {  	[sflag:s24] =	ssyncset.done $0x0  }
0x10f: {  	[sflag:s24] =	ssyncadd.s32 $0xFFFFF000  }
0x110: {  	_ =	swait.ge [sflag:s24], $0x1000  }
0x111: {  	[sflag:s24] =	ssyncset.done $0x0  }
0x112: {  	[sflag:s24] =	ssyncadd.s32 $0xFFFFF000  }
0x113: {  	_ =	swait.ge [sflag:s24], $0x1000  }
0x114: {  	[sflag:s24] =	ssyncset.done $0x0  }
0x115: {  	[sflag:s24] =	ssyncadd.s32 $0xFFFFF000  }
0x116: {  	_ =	swait.ge [sflag:s24], $0x1000  }
0x117: {  	[sflag:s24] =	ssyncset.done $0x0  }
0x118: {  	[sflag:s24] =	ssyncadd.s32 $0xFFFFF000  }
0x119: {  	_ =	swait.ge [sflag:s24], $0x1000  }
0x11a: {  	[sflag:s24] =	ssyncset.done $0x0  }
0x11b: {  	[sflag:s24] =	ssyncadd.s32 $0xFFFFF000  }
0x11c: {  	_ =	swait.ge [sflag:s24], $0x1000  }
0x11d: {  	[sflag:s24] =	ssyncset.done $0x0  }
0x11e: {  	[sflag:s24] =	ssyncadd.s32 $0xFFFFF000  }
0x11f: {  	_ =	swait.ge [sflag:s24], $0x1000  }
0x120: {  	[sflag:s24] =	ssyncset.done $0x0  }
0x121: {  	[sflag:s24] =	ssyncadd.s32 $0xFFFFF000  }
0x122: {  	_ =	swait.ge [sflag:s24], $0x1000  }
0x123: {  	[sflag:s24] =	ssyncset.done $0x0  }
0x124: {  	[sflag:s24] =	ssyncadd.s32 $0xFFFFF000  }
0x125: {  	_ =	swait.ge [sflag:s24], $0x1000  }
0x126: {  	[sflag:s24] =	ssyncset.done $0x0  }
0x127: {  	[sflag:s24] =	ssyncadd.s32 $0xFFFFF000  }
0x128: {  	_ =	swait.ge [sflag:s24], $0x1000  }
0x129: {  	[sflag:s24] =	ssyncset.done $0x0  }
0x12a: {  	[sflag:s24] =	ssyncadd.s32 $0xFFFFF000  }
0x12b: {  	_ =	swait.ge [sflag:s24], $0x1000  }
0x12c: {  	[sflag:s24] =	ssyncset.done $0x0  }
0x12d: {  	[sflag:s24] =	ssyncadd.s32 $0xFFFFF000  }
0x12e: {  	_ =	swait.ge [sflag:s24], $0x1000  }
0x12f: {  	[sflag:s24] =	ssyncset.done $0x0  }
0x130: {  	[sflag:s24] =	ssyncadd.s32 $0xFFFFF000  }
0x131: {  	_ =	swait.ge [sflag:s24], $0x1000  }
0x132: {  	[sflag:s24] =	ssyncset.done $0x0  }
0x133: {  	[sflag:s24] =	ssyncadd.s32 $0xFFFFF000  }
0x134: {  	_ =	swait.ge [sflag:s24], $0x1000  }
0x135: {  	p0 =	sne.s32 s1, $0x1;
	[sflag:s24] =	ssyncset.done $0x0  }
.Ltmp1:
0x136: {  	[sflag:s24] =	ssyncadd.s32 $0xFFFFF000;
	(pc) =	sbr.rel @p0 .LBB2_1-.Ltmp1, $4  }
0x137: {  	_ =	swait.ge [sflag:s24], $0x1000  }
0x138: {  	[sflag:s24] =	ssyncset.done $0x0  }
0x139: {  	[sflag:s24] =	ssyncadd.s32 $0xFFFFF000  }
0x13a: {  	s1 =	sadd.s32 $0xFFFFFFFF, s1;
	_ =	swait.ge [sflag:s24], $0x1000  }
.LBB2_2:
0x13b: {  	[sflag:s24] =	ssyncset.done $0x0  }
0x13c: {  	[sflag:s24] =	ssyncadd.s32 $0xFFFFF000  }
0x13d: {  	_ =	swait.ge [sflag:s24], $0x1000  }
0x13e: {  	[sflag:s24] =	ssyncset.done $0x0  }
0x13f: {  	[sflag:s24] =	ssyncadd.s32 $0xFFFFF000  }
0x140: {  	_ =	swait.ge [sflag:s24], $0x1000  }
0x141: {  	[sflag:s24] =	ssyncset.done $0x0  }
0x142: {  	s0 =	rddreg [dreg:$0x4];
	[sflag:s24] =	ssyncadd.s32 $0xFFFFF000  }
0x143: {  	[hbm4b:s0+s2] =	stream.linear.scatter [tilespmem:s4], [sflag:$0x2], $0x1A000, $0x38;
	[tilespmem:$0x1AD00] =	vst v63  }
0x144: {  	_ =	swait.ge [sflag:s3], $0x1A000  }
0x145: {  	[sflag:s3] =	ssyncset.done $0x0  }
0x146: {  	[sflag:s3] =	ssyncadd.s32 $0xFFFE6000  }
0x147: {  	_ =	sfence.sel $0x180000  }
0x148: {  	[bflag:$0x0] =	sbarrier.arrive $0xFFFF  }
0x149: {  	_ =	strace $0x90000047  }
0x14a: {  	s31 =	stileid.u32;
	[bflag:$0x2] =	sbarrier.arrive $0xFFFF  }
0x14b: {  	p0 =	sne.s32 s31, $0x0;
	s0 =	rddreg [dreg:$0x2]  }
0x14c: {  	s0 =	sadd.s32 @!p0 $0x100000, s0  }
0x14d: {  	[sflag:s0] =	ssyncadd.tile.s32 @!p0 $0x1;
	_ =	shalt  }
.Lfunc_end2:
_tile_overlayer_lowered:
.L_overlay_start_2:
0x14e: {  	(tag) =	ssettag $0x2  }
0x14f: {  	s0 =	rddreg [dreg:$0x0];
	s2 =	stileid.u32  }
0x150: {  	s1 =	rddreg [dreg:$0x1];
	p0 =	sne.s32 s2, $0x0  }
0x151: {  	s3 =	rddreg [dreg:$0x2];
	[bflag:$0x3] =	sbarrier.arrive $0xFFFF;
	s2 =	simm.s32 @!p0 $0x1C02  }
0x152: {  	[timem:s3], [sflag:s2] =	dma.local @!p0 [hbm:s0], s1  }
0x153: {  	s0 =	simm.s32 @!p0 $0x2  }
0x154: {  	_ =	swait.ge @!p0 [sflag:s0], s1  }
0x155: {  	s1 =	ssub.s32 @!p0 $0x0, s1;
	[sflag:s0] =	ssyncset.done @!p0 $0x0  }
0x156: {  	[sflag:s0] =	ssyncadd.s32 @!p0 s1  }
0x157: {  	[bflag:$0x3] =	sbarrier.arrive $0xFFFF  }
0x158: {  	_ =	shalt  }

</sc_bundles>
